<compile_context>
chip_gen: v7x
topology: tpu7x:2x2x1
jax: 0.10.2.dev20260603
libtpu: 0.0.44.dev20260713+nightly
codegen_flags: <defaults>
</compile_context>

<pallas_src>
import functools

import jax
import jax.numpy as jnp
from jax import lax
from jax.experimental import pallas as pl
from jax.experimental.pallas import tpu as pltpu
from jax.experimental.pallas import tpu_sc as plsc

NUM_FEATS = 128
H = 200
W = 200
NC = 2
NS = 16
LANES = 16
NWORKERS = NC * NS
C_TOTAL = 2 * NUM_FEATS


def _make_kernel(bs):
    mesh = plsc.VectorSubcoreMesh(
        core_axis_name="c", subcore_axis_name="s",
        num_cores=NC, num_subcores=NS)

    n_half = NUM_FEATS // LANES
    y_groups = NWORKERS // bs
    slabs_per_w = H // y_groups
    n_pairs = slabs_per_w // 2

    @functools.partial(
        pl.kernel,
        out_type=jax.ShapeDtypeStruct((bs, H, W, C_TOTAL), jnp.float32),
        mesh=mesh,
        scratch_types=[
            pltpu.VMEM((H, NUM_FEATS), jnp.float32),
            pltpu.VMEM((W, C_TOTAL), jnp.float32),
            pltpu.VMEM((W, C_TOTAL), jnp.float32),
            pltpu.SemaphoreType.DMA,
            pltpu.SemaphoreType.DMA,
        ],
        compiler_params=pltpu.CompilerParams(use_tc_tiling_on_sc=True),
    )
    def body(rw_hbm, cw_hbm, out_hbm, rv, buf0, buf1, sem0, sem1):
        wid = lax.axis_index("s") * NC + lax.axis_index("c")
        bb = wid % bs
        y0 = wid // bs

        pltpu.sync_copy(rw_hbm, rv)
        pltpu.sync_copy(cw_hbm, buf0.at[:, pl.ds(0, NUM_FEATS)])
        pltpu.sync_copy(cw_hbm, buf1.at[:, pl.ds(0, NUM_FEATS)])

        def build(y, buf):
            vs = [rv[y, pl.ds(j * LANES, LANES)] for j in range(n_half)]

            def row_body(x, carry):
                for j in range(n_half):
                    buf[x, pl.ds(NUM_FEATS + j * LANES, LANES)] = vs[j]
                return carry

            lax.fori_loop(0, W, row_body, 0)

        def fire(y, buf, sem):
            pltpu.async_copy(buf, out_hbm.at[bb, y], sem)

        def drain(buf, sem):
            pltpu.make_async_copy(buf, out_hbm.at[bb, y0], sem).wait()

        build(y0, buf0)
        fire(y0, buf0, sem0)
        build(y0 + y_groups, buf1)
        fire(y0 + y_groups, buf1, sem1)

        def pair_body(i, carry):
            y_a = y0 + y_groups * (2 * i)
            drain(buf0, sem0)
            build(y_a, buf0)
            fire(y_a, buf0, sem0)
            y_b = y_a + y_groups
            drain(buf1, sem1)
            build(y_b, buf1)
            fire(y_b, buf1, sem1)
            return carry

        lax.fori_loop(1, n_pairs, pair_body, 0)

        drain(buf0, sem0)
        drain(buf1, sem1)

    return body


def kernel(mask, row_weight, col_weight):
    bs = mask.shape[0]
    out = _make_kernel(bs)(row_weight, col_weight)
    return jnp.transpose(out, (0, 3, 1, 2))

# --- scband reference (transcript-rebuilt; emitter-appended) ---
"""Pipeline reference for scband-learned-positional-encoding2-d-62517543960665 (READ-ONLY COPY).

The authoritative reference and input builder live on the scoring server;
editing this copy changes nothing except your own understanding.
"""

import jax, jax.numpy as jnp
import numpy as np

NUM_FEATS = 128
ROW_NUM_EMBED = 200
COL_NUM_EMBED = 200

def setup_inputs(seed: int = 0) -> dict:
    key = jax.random.key(seed)
    k1, k2 = jax.random.split(key)
    mask = jnp.zeros((8, 200, 200), dtype=jnp.bool_)
    row_weight = jax.random.uniform(k1, (ROW_NUM_EMBED, NUM_FEATS), dtype=jnp.float32)
    col_weight = jax.random.uniform(k2, (COL_NUM_EMBED, NUM_FEATS), dtype=jnp.float32)
    return {"mask": mask, "row_weight": row_weight, "col_weight": col_weight}

def reference(mask, row_weight, col_weight):
    bs, h, w = mask.shape
    y = jnp.arange(h)
    x = jnp.arange(w)
    y_embed = jnp.take(row_weight, y, axis=0)  # [h, num_feats]
    x_embed = jnp.take(col_weight, x, axis=0)  # [w, num_feats]
    nf = x_embed.shape[-1]
    x_part = jnp.broadcast_to(x_embed[None, :, :], (h, w, nf))
    y_part = jnp.broadcast_to(y_embed[:, None, :], (h, w, nf))
    pos = jnp.concatenate((x_part, y_part), axis=-1)  # [h, w, 2*nf]
    pos = jnp.transpose(pos, (2, 0, 1))[None]  # [1, 2*nf, h, w]
    out = jnp.broadcast_to(pos, (bs,) + pos.shape[1:])
    return jnp.asarray(out)

if __name__ == "__main__":
    import jax
    _d = setup_inputs()
    print(jax.jit(kernel)(*tuple(_d.values())))

</pallas_src>

<mosaic_0001>
#map = affine_map<(d0, d1) -> (0, 0)>
#map1 = affine_map<(d0, d1) -> (0, 0, 0, 0)>
module attributes {stable_mosaic.version = 14 : i64} {
  func.func @body(%arg0: i32, %arg1: i32, %arg2: memref<200x128xf32, #tpu.memory_space<hbm>>, %arg3: memref<200x128xf32, #tpu.memory_space<hbm>>, %arg4: memref<8x200x200x256xf32, #tpu.memory_space<hbm>>, %arg5: memref<200x128xf32, #tpu.memory_space<vmem>>, %arg6: memref<200x256xf32, #tpu.memory_space<vmem>>, %arg7: memref<200x256xf32, #tpu.memory_space<vmem>>, %arg8: memref<!tpu.dma_semaphore, #tpu.memory_space<semaphore_mem>>, %arg9: memref<!tpu.dma_semaphore, #tpu.memory_space<semaphore_mem>>) attributes {dimension_semantics = [#tpu.dimension_semantics<core_parallel>, #tpu.dimension_semantics<subcore_parallel>], iteration_bounds = array<i64: 2, 16>, scalar_prefetch = 0 : i64, scratch_operands = 5 : i64, tpu.core_type = #tpu.core_type<sc_vector_subcore>, window_params = [{transform_indices = #map}, {transform_indices = #map}, {transform_indices = #map1}]} {
    %mul3A = arith.constant 2 : i32
    %mul3A_0 = arith.muli %arg1, %mul3A : i32
    %add3A = arith.addi %mul3A_0, %arg0 : i32
    %jit3A = arith.constant 8 : i32
    %eq3A = arith.constant 0 : i32
    %eq3A_1 = arith.cmpi eq, %jit3A, %eq3A : i32
    %jit3A_2 = arith.constant 1 : i32
    %select_n3A = arith.select %eq3A_1, %jit3A_2, %jit3A : i32
    %rem3A = arith.remsi %add3A, %select_n3A : i32
    %ne3A = arith.constant 0 : i32
    %ne3A_3 = arith.cmpi ne, %rem3A, %ne3A : i32
    %lt3A = arith.constant 0 : i32
    %lt3A_4 = arith.cmpi slt, %rem3A, %lt3A : i32
    %lt3A_5 = arith.constant 0 : i32
    %lt3A_6 = arith.cmpi slt, %select_n3A, %lt3A_5 : i32
    %ne3A_7 = arith.xori %lt3A_4, %lt3A_6 : i1
    %and3A = arith.andi %ne3A_7, %ne3A_3 : i1
    %add3A_8 = arith.addi %rem3A, %select_n3A : i32
    %select_n3A_9 = arith.select %and3A, %add3A_8, %rem3A : i32
    %jit3A_10 = arith.constant 8 : i32
    %div3A = arith.divsi %add3A, %jit3A_10 : i32
    %sign3A = arith.constant 0 : i32
    %sign3A_11 = arith.cmpi sgt, %add3A, %sign3A : i32
    %sign3A_12 = arith.extui %sign3A_11 : i1 to i32
    %sign3A_13 = arith.constant 0 : i32
    %sign3A_14 = arith.cmpi slt, %add3A, %sign3A_13 : i32
    %sign3A_15 = arith.extui %sign3A_14 : i1 to i32
    %sign3A_16 = arith.subi %sign3A_12, %sign3A_15 : i32
    %sign3A_17 = arith.constant 0 : i32
    %sign3A_18 = arith.cmpi sgt, %jit3A_10, %sign3A_17 : i32
    %sign3A_19 = arith.extui %sign3A_18 : i1 to i32
    %sign3A_20 = arith.constant 0 : i32
    %sign3A_21 = arith.cmpi slt, %jit3A_10, %sign3A_20 : i32
    %sign3A_22 = arith.extui %sign3A_21 : i1 to i32
    %sign3A_23 = arith.subi %sign3A_19, %sign3A_22 : i32
    %ne3A_24 = arith.cmpi ne, %sign3A_16, %sign3A_23 : i32
    %rem3A_25 = arith.remsi %add3A, %jit3A_10 : i32
    %ne3A_26 = arith.constant 0 : i32
    %ne3A_27 = arith.cmpi ne, %rem3A_25, %ne3A_26 : i32
    %and3A_28 = arith.andi %ne3A_24, %ne3A_27 : i1
    %sub3A = arith.constant 1 : i32
    %sub3A_29 = arith.subi %div3A, %sub3A : i32
    %select_n3A_30 = arith.select %and3A_28, %sub3A_29, %div3A : i32
    "tpu.region"() ({
      %run_scoped3A = tpu.sem_alloc : memref<!tpu.dma_semaphore, #tpu.memory_space<semaphore_mem>>
      tpu.enqueue_dma source(%arg2 : memref<200x128xf32, #tpu.memory_space<hbm>>) target(%arg5 : memref<200x128xf32, #tpu.memory_space<vmem>>) target_semaphore(%run_scoped3A : memref<!tpu.dma_semaphore, #tpu.memory_space<semaphore_mem>>)
      tpu.wait_dma2 semaphore(%run_scoped3A : memref<!tpu.dma_semaphore, #tpu.memory_space<semaphore_mem>>) src(%arg2 : memref<200x128xf32, #tpu.memory_space<hbm>>) dst(%arg5 : memref<200x128xf32, #tpu.memory_space<vmem>>)
      tpu.yield
    }) : () -> ()
    "tpu.region"() ({
      %run_scoped3A = tpu.sem_alloc : memref<!tpu.dma_semaphore, #tpu.memory_space<semaphore_mem>>
      %dma_start3A_145 = arith.constant 0 : i32
      %dma_start3A_146 = arith.constant 0 : i32
      %dma_start3A_147 = tpu.memref_slice %arg6[%dma_start3A_145, %dma_start3A_146] : memref<200x256xf32, #tpu.memory_space<vmem>> -> memref<200x128xf32, #tpu.memory_space<vmem>>
      %dma_start3A_148 = arith.constant 0 : i32
      %dma_start3A_149 = arith.constant 0 : i32
      %dma_start3A_150 = tpu.memref_slice %arg6[%dma_start3A_148, %dma_start3A_149] : memref<200x256xf32, #tpu.memory_space<vmem>> -> memref<200x128xf32, #tpu.memory_space<vmem>>
      tpu.enqueue_dma source(%arg3 : memref<200x128xf32, #tpu.memory_space<hbm>>) target(%dma_start3A_150 : memref<200x128xf32, #tpu.memory_space<vmem>>) target_semaphore(%run_scoped3A : memref<!tpu.dma_semaphore, #tpu.memory_space<semaphore_mem>>)
      %dma_wait3A_151 = arith.constant 0 : i32
      %dma_wait3A_152 = arith.constant 0 : i32
      %dma_wait3A_153 = tpu.memref_slice %arg6[%dma_wait3A_151, %dma_wait3A_152] : memref<200x256xf32, #tpu.memory_space<vmem>> -> memref<200x128xf32, #tpu.memory_space<vmem>>
      %dma_wait3A_154 = arith.constant 0 : i32
      %dma_wait3A_155 = arith.constant 0 : i32
      %dma_wait3A_156 = tpu.memref_slice %arg6[%dma_wait3A_154, %dma_wait3A_155] : memref<200x256xf32, #tpu.memory_space<vmem>> -> memref<200x128xf32, #tpu.memory_space<vmem>>
      tpu.wait_dma2 semaphore(%run_scoped3A : memref<!tpu.dma_semaphore, #tpu.memory_space<semaphore_mem>>) src(%arg3 : memref<200x128xf32, #tpu.memory_space<hbm>>) dst(%dma_wait3A_156 : memref<200x128xf32, #tpu.memory_space<vmem>>)
      tpu.yield
    }) : () -> ()
    "tpu.region"() ({
      %run_scoped3A = tpu.sem_alloc : memref<!tpu.dma_semaphore, #tpu.memory_space<semaphore_mem>>
      %dma_start3A_145 = arith.constant 0 : i32
      %dma_start3A_146 = arith.constant 0 : i32
      %dma_start3A_147 = tpu.memref_slice %arg7[%dma_start3A_145, %dma_start3A_146] : memref<200x256xf32, #tpu.memory_space<vmem>> -> memref<200x128xf32, #tpu.memory_space<vmem>>
      %dma_start3A_148 = arith.constant 0 : i32
      %dma_start3A_149 = arith.constant 0 : i32
      %dma_start3A_150 = tpu.memref_slice %arg7[%dma_start3A_148, %dma_start3A_149] : memref<200x256xf32, #tpu.memory_space<vmem>> -> memref<200x128xf32, #tpu.memory_space<vmem>>
      tpu.enqueue_dma source(%arg3 : memref<200x128xf32, #tpu.memory_space<hbm>>) target(%dma_start3A_150 : memref<200x128xf32, #tpu.memory_space<vmem>>) target_semaphore(%run_scoped3A : memref<!tpu.dma_semaphore, #tpu.memory_space<semaphore_mem>>)
      %dma_wait3A_151 = arith.constant 0 : i32
      %dma_wait3A_152 = arith.constant 0 : i32
      %dma_wait3A_153 = tpu.memref_slice %arg7[%dma_wait3A_151, %dma_wait3A_152] : memref<200x256xf32, #tpu.memory_space<vmem>> -> memref<200x128xf32, #tpu.memory_space<vmem>>
      %dma_wait3A_154 = arith.constant 0 : i32
      %dma_wait3A_155 = arith.constant 0 : i32
      %dma_wait3A_156 = tpu.memref_slice %arg7[%dma_wait3A_154, %dma_wait3A_155] : memref<200x256xf32, #tpu.memory_space<vmem>> -> memref<200x128xf32, #tpu.memory_space<vmem>>
      tpu.wait_dma2 semaphore(%run_scoped3A : memref<!tpu.dma_semaphore, #tpu.memory_space<semaphore_mem>>) src(%arg3 : memref<200x128xf32, #tpu.memory_space<hbm>>) dst(%dma_wait3A_156 : memref<200x128xf32, #tpu.memory_space<vmem>>)
      tpu.yield
    }) : () -> ()
    %get3A = arith.index_cast %select_n3A_30 : i32 to index
    %get3A_31 = arith.constant 0 : index
    %get3A_32 = tpu.vector_load %arg5[%get3A, %get3A_31] {strides = array<i32>} : memref<200x128xf32, #tpu.memory_space<vmem>>, vector<1x16xf32>,
    %get3A_33 = vector.shape_cast %get3A_32 : vector<1x16xf32> to vector<16xf32>
    %get3A_34 = arith.index_cast %select_n3A_30 : i32 to index
    %get3A_35 = arith.constant 16 : index
    %get3A_36 = tpu.vector_load %arg5[%get3A_34, %get3A_35] {strides = array<i32>} : memref<200x128xf32, #tpu.memory_space<vmem>>, vector<1x16xf32>,
    %get3A_37 = vector.shape_cast %get3A_36 : vector<1x16xf32> to vector<16xf32>
    %get3A_38 = arith.index_cast %select_n3A_30 : i32 to index
    %get3A_39 = arith.constant 32 : index
    %get3A_40 = tpu.vector_load %arg5[%get3A_38, %get3A_39] {strides = array<i32>} : memref<200x128xf32, #tpu.memory_space<vmem>>, vector<1x16xf32>,
    %get3A_41 = vector.shape_cast %get3A_40 : vector<1x16xf32> to vector<16xf32>
    %get3A_42 = arith.index_cast %select_n3A_30 : i32 to index
    %get3A_43 = arith.constant 48 : index
    %get3A_44 = tpu.vector_load %arg5[%get3A_42, %get3A_43] {strides = array<i32>} : memref<200x128xf32, #tpu.memory_space<vmem>>, vector<1x16xf32>,
    %get3A_45 = vector.shape_cast %get3A_44 : vector<1x16xf32> to vector<16xf32>
    %get3A_46 = arith.index_cast %select_n3A_30 : i32 to index
    %get3A_47 = arith.constant 64 : index
    %get3A_48 = tpu.vector_load %arg5[%get3A_46, %get3A_47] {strides = array<i32>} : memref<200x128xf32, #tpu.memory_space<vmem>>, vector<1x16xf32>,
    %get3A_49 = vector.shape_cast %get3A_48 : vector<1x16xf32> to vector<16xf32>
    %get3A_50 = arith.index_cast %select_n3A_30 : i32 to index
    %get3A_51 = arith.constant 80 : index
    %get3A_52 = tpu.vector_load %arg5[%get3A_50, %get3A_51] {strides = array<i32>} : memref<200x128xf32, #tpu.memory_space<vmem>>, vector<1x16xf32>,
    %get3A_53 = vector.shape_cast %get3A_52 : vector<1x16xf32> to vector<16xf32>
    %get3A_54 = arith.index_cast %select_n3A_30 : i32 to index
    %get3A_55 = arith.constant 96 : index
    %get3A_56 = tpu.vector_load %arg5[%get3A_54, %get3A_55] {strides = array<i32>} : memref<200x128xf32, #tpu.memory_space<vmem>>, vector<1x16xf32>,
    %get3A_57 = vector.shape_cast %get3A_56 : vector<1x16xf32> to vector<16xf32>
    %get3A_58 = arith.index_cast %select_n3A_30 : i32 to index
    %get3A_59 = arith.constant 112 : index
    %get3A_60 = tpu.vector_load %arg5[%get3A_58, %get3A_59] {strides = array<i32>} : memref<200x128xf32, #tpu.memory_space<vmem>>, vector<1x16xf32>,
    %get3A_61 = vector.shape_cast %get3A_60 : vector<1x16xf32> to vector<16xf32>
    %scan3A = arith.constant 0 : i32
    %scan3A_62 = arith.constant 0 : i32
    %scan3A_63 = arith.constant 200 : i32
    %scan3A_64 = arith.addi %scan3A_62, %scan3A_63 : i32
    %scan3A_65 = arith.constant 1 : i32
    scf.for %scan3A_145 = %scan3A_62 to %scan3A_64 step %scan3A_65  : i32 {
      %swap3A = arith.index_cast %scan3A_145 : i32 to index
      %swap3A_146 = arith.constant 128 : index
      %swap3A_147 = tpu.vector_load %arg6[%swap3A, %swap3A_146] {strides = array<i32>} : memref<200x256xf32, #tpu.memory_space<vmem>>, vector<1x16xf32>,
      %swap3A_148 = vector.shape_cast %swap3A_147 : vector<1x16xf32> to vector<16xf32>
      %swap3A_149 = vector.shape_cast %get3A_33 : vector<16xf32> to vector<1x16xf32>
      tpu.vector_store %arg6[%swap3A, %swap3A_146], %swap3A_149 {strides = array<i32>} : memref<200x256xf32, #tpu.memory_space<vmem>>, vector<1x16xf32>,
      %swap3A_150 = arith.index_cast %scan3A_145 : i32 to index
      %swap3A_151 = arith.constant 144 : index
      %swap3A_152 = tpu.vector_load %arg6[%swap3A_150, %swap3A_151] {strides = array<i32>} : memref<200x256xf32, #tpu.memory_space<vmem>>, vector<1x16xf32>,
      %swap3A_153 = vector.shape_cast %swap3A_152 : vector<1x16xf32> to vector<16xf32>
      %swap3A_154 = vector.shape_cast %get3A_37 : vector<16xf32> to vector<1x16xf32>
      tpu.vector_store %arg6[%swap3A_150, %swap3A_151], %swap3A_154 {strides = array<i32>} : memref<200x256xf32, #tpu.memory_space<vmem>>, vector<1x16xf32>,
      %swap3A_155 = arith.index_cast %scan3A_145 : i32 to index
      %swap3A_156 = arith.constant 160 : index
      %swap3A_157 = tpu.vector_load %arg6[%swap3A_155, %swap3A_156] {strides = array<i32>} : memref<200x256xf32, #tpu.memory_space<vmem>>, vector<1x16xf32>,
      %swap3A_158 = vector.shape_cast %swap3A_157 : vector<1x16xf32> to vector<16xf32>
      %swap3A_159 = vector.shape_cast %get3A_41 : vector<16xf32> to vector<1x16xf32>
      tpu.vector_store %arg6[%swap3A_155, %swap3A_156], %swap3A_159 {strides = array<i32>} : memref<200x256xf32, #tpu.memory_space<vmem>>, vector<1x16xf32>,
      %swap3A_160 = arith.index_cast %scan3A_145 : i32 to index
      %swap3A_161 = arith.constant 176 : index
      %swap3A_162 = tpu.vector_load %arg6[%swap3A_160, %swap3A_161] {strides = array<i32>} : memref<200x256xf32, #tpu.memory_space<vmem>>, vector<1x16xf32>,
      %swap3A_163 = vector.shape_cast %swap3A_162 : vector<1x16xf32> to vector<16xf32>
      %swap3A_164 = vector.shape_cast %get3A_45 : vector<16xf32> to vector<1x16xf32>
      tpu.vector_store %arg6[%swap3A_160, %swap3A_161], %swap3A_164 {strides = array<i32>} : memref<200x256xf32, #tpu.memory_space<vmem>>, vector<1x16xf32>,
      %swap3A_165 = arith.index_cast %scan3A_145 : i32 to index
      %swap3A_166 = arith.constant 192 : index
      %swap3A_167 = tpu.vector_load %arg6[%swap3A_165, %swap3A_166] {strides = array<i32>} : memref<200x256xf32, #tpu.memory_space<vmem>>, vector<1x16xf32>,
      %swap3A_168 = vector.shape_cast %swap3A_167 : vector<1x16xf32> to vector<16xf32>
      %swap3A_169 = vector.shape_cast %get3A_49 : vector<16xf32> to vector<1x16xf32>
      tpu.vector_store %arg6[%swap3A_165, %swap3A_166], %swap3A_169 {strides = array<i32>} : memref<200x256xf32, #tpu.memory_space<vmem>>, vector<1x16xf32>,
      %swap3A_170 = arith.index_cast %scan3A_145 : i32 to index
      %swap3A_171 = arith.constant 208 : index
      %swap3A_172 = tpu.vector_load %arg6[%swap3A_170, %swap3A_171] {strides = array<i32>} : memref<200x256xf32, #tpu.memory_space<vmem>>, vector<1x16xf32>,
      %swap3A_173 = vector.shape_cast %swap3A_172 : vector<1x16xf32> to vector<16xf32>
      %swap3A_174 = vector.shape_cast %get3A_53 : vector<16xf32> to vector<1x16xf32>
      tpu.vector_store %arg6[%swap3A_170, %swap3A_171], %swap3A_174 {strides = array<i32>} : memref<200x256xf32, #tpu.memory_space<vmem>>, vector<1x16xf32>,
      %swap3A_175 = arith.index_cast %scan3A_145 : i32 to index
      %swap3A_176 = arith.constant 224 : index
      %swap3A_177 = tpu.vector_load %arg6[%swap3A_175, %swap3A_176] {strides = array<i32>} : memref<200x256xf32, #tpu.memory_space<vmem>>, vector<1x16xf32>,
      %swap3A_178 = vector.shape_cast %swap3A_177 : vector<1x16xf32> to vector<16xf32>
      %swap3A_179 = vector.shape_cast %get3A_57 : vector<16xf32> to vector<1x16xf32>
      tpu.vector_store %arg6[%swap3A_175, %swap3A_176], %swap3A_179 {strides = array<i32>} : memref<200x256xf32, #tpu.memory_space<vmem>>, vector<1x16xf32>,
      %swap3A_180 = arith.index_cast %scan3A_145 : i32 to index
      %swap3A_181 = arith.constant 240 : index
      %swap3A_182 = tpu.vector_load %arg6[%swap3A_180, %swap3A_181] {strides = array<i32>} : memref<200x256xf32, #tpu.memory_space<vmem>>, vector<1x16xf32>,
      %swap3A_183 = vector.shape_cast %swap3A_182 : vector<1x16xf32> to vector<16xf32>
      %swap3A_184 = vector.shape_cast %get3A_61 : vector<16xf32> to vector<1x16xf32>
      tpu.vector_store %arg6[%swap3A_180, %swap3A_181], %swap3A_184 {strides = array<i32>} : memref<200x256xf32, #tpu.memory_space<vmem>>, vector<1x16xf32>,
    }
    %scan3A_66 = arith.constant 200 : i32
    %dma_start3A = arith.constant 0 : i32
    %dma_start3A_67 = arith.constant 0 : i32
    %dma_start3A_68 = tpu.memref_slice %arg4[%select_n3A_9, %select_n3A_30, %dma_start3A, %dma_start3A_67] : memref<8x200x200x256xf32, #tpu.memory_space<hbm>> -> memref<1x1x200x256xf32, #tpu.memory_space<hbm>>
    %dma_start3A_69 = tpu.memref_squeeze %dma_start3A_68 : memref<1x1x200x256xf32, #tpu.memory_space<hbm>> -> memref<200x256xf32, #tpu.memory_space<hbm>>
    %dma_start3A_70 = arith.constant 0 : i32
    %dma_start3A_71 = arith.constant 0 : i32
    %dma_start3A_72 = tpu.memref_slice %arg4[%select_n3A_9, %select_n3A_30, %dma_start3A_70, %dma_start3A_71] : memref<8x200x200x256xf32, #tpu.memory_space<hbm>> -> memref<1x1x200x256xf32, #tpu.memory_space<hbm>>
    %dma_start3A_73 = tpu.memref_squeeze %dma_start3A_72 : memref<1x1x200x256xf32, #tpu.memory_space<hbm>> -> memref<200x256xf32, #tpu.memory_space<hbm>>
    tpu.enqueue_dma source(%arg6 : memref<200x256xf32, #tpu.memory_space<vmem>>) target(%dma_start3A_73 : memref<200x256xf32, #tpu.memory_space<hbm>>) target_semaphore(%arg8 : memref<!tpu.dma_semaphore, #tpu.memory_space<semaphore_mem>>)
    %add3A_74 = arith.constant 4 : i32
    %add3A_75 = arith.addi %select_n3A_30, %add3A_74 : i32
    %get3A_76 = arith.index_cast %add3A_75 : i32 to index
    %get3A_77 = arith.constant 0 : index
    %get3A_78 = tpu.vector_load %arg5[%get3A_76, %get3A_77] {strides = array<i32>} : memref<200x128xf32, #tpu.memory_space<vmem>>, vector<1x16xf32>,
    %get3A_79 = vector.shape_cast %get3A_78 : vector<1x16xf32> to vector<16xf32>
    %get3A_80 = arith.index_cast %add3A_75 : i32 to index
    %get3A_81 = arith.constant 16 : index
    %get3A_82 = tpu.vector_load %arg5[%get3A_80, %get3A_81] {strides = array<i32>} : memref<200x128xf32, #tpu.memory_space<vmem>>, vector<1x16xf32>,
    %get3A_83 = vector.shape_cast %get3A_82 : vector<1x16xf32> to vector<16xf32>
    %get3A_84 = arith.index_cast %add3A_75 : i32 to index
    %get3A_85 = arith.constant 32 : index
    %get3A_86 = tpu.vector_load %arg5[%get3A_84, %get3A_85] {strides = array<i32>} : memref<200x128xf32, #tpu.memory_space<vmem>>, vector<1x16xf32>,
    %get3A_87 = vector.shape_cast %get3A_86 : vector<1x16xf32> to vector<16xf32>
    %get3A_88 = arith.index_cast %add3A_75 : i32 to index
    %get3A_89 = arith.constant 48 : index
    %get3A_90 = tpu.vector_load %arg5[%get3A_88, %get3A_89] {strides = array<i32>} : memref<200x128xf32, #tpu.memory_space<vmem>>, vector<1x16xf32>,
    %get3A_91 = vector.shape_cast %get3A_90 : vector<1x16xf32> to vector<16xf32>
    %get3A_92 = arith.index_cast %add3A_75 : i32 to index
    %get3A_93 = arith.constant 64 : index
    %get3A_94 = tpu.vector_load %arg5[%get3A_92, %get3A_93] {strides = array<i32>} : memref<200x128xf32, #tpu.memory_space<vmem>>, vector<1x16xf32>,
    %get3A_95 = vector.shape_cast %get3A_94 : vector<1x16xf32> to vector<16xf32>
    %get3A_96 = arith.index_cast %add3A_75 : i32 to index
    %get3A_97 = arith.constant 80 : index
    %get3A_98 = tpu.vector_load %arg5[%get3A_96, %get3A_97] {strides = array<i32>} : memref<200x128xf32, #tpu.memory_space<vmem>>, vector<1x16xf32>,
    %get3A_99 = vector.shape_cast %get3A_98 : vector<1x16xf32> to vector<16xf32>
    %get3A_100 = arith.index_cast %add3A_75 : i32 to index
    %get3A_101 = arith.constant 96 : index
    %get3A_102 = tpu.vector_load %arg5[%get3A_100, %get3A_101] {strides = array<i32>} : memref<200x128xf32, #tpu.memory_space<vmem>>, vector<1x16xf32>,
    %get3A_103 = vector.shape_cast %get3A_102 : vector<1x16xf32> to vector<16xf32>
    %get3A_104 = arith.index_cast %add3A_75 : i32 to index
    %get3A_105 = arith.constant 112 : index
    %get3A_106 = tpu.vector_load %arg5[%get3A_104, %get3A_105] {strides = array<i32>} : memref<200x128xf32, #tpu.memory_space<vmem>>, vector<1x16xf32>,
    %get3A_107 = vector.shape_cast %get3A_106 : vector<1x16xf32> to vector<16xf32>
    %scan3A_108 = arith.constant 0 : i32
    %scan3A_109 = arith.constant 0 : i32
    %scan3A_110 = arith.constant 200 : i32
    %scan3A_111 = arith.addi %scan3A_109, %scan3A_110 : i32
    %scan3A_112 = arith.constant 1 : i32
    scf.for %scan3A_145 = %scan3A_109 to %scan3A_111 step %scan3A_112  : i32 {
      %swap3A = arith.index_cast %scan3A_145 : i32 to index
      %swap3A_146 = arith.constant 128 : index
      %swap3A_147 = tpu.vector_load %arg7[%swap3A, %swap3A_146] {strides = array<i32>} : memref<200x256xf32, #tpu.memory_space<vmem>>, vector<1x16xf32>,
      %swap3A_148 = vector.shape_cast %swap3A_147 : vector<1x16xf32> to vector<16xf32>
      %swap3A_149 = vector.shape_cast %get3A_79 : vector<16xf32> to vector<1x16xf32>
      tpu.vector_store %arg7[%swap3A, %swap3A_146], %swap3A_149 {strides = array<i32>} : memref<200x256xf32, #tpu.memory_space<vmem>>, vector<1x16xf32>,
      %swap3A_150 = arith.index_cast %scan3A_145 : i32 to index
      %swap3A_151 = arith.constant 144 : index
      %swap3A_152 = tpu.vector_load %arg7[%swap3A_150, %swap3A_151] {strides = array<i32>} : memref<200x256xf32, #tpu.memory_space<vmem>>, vector<1x16xf32>,
      %swap3A_153 = vector.shape_cast %swap3A_152 : vector<1x16xf32> to vector<16xf32>
      %swap3A_154 = vector.shape_cast %get3A_83 : vector<16xf32> to vector<1x16xf32>
      tpu.vector_store %arg7[%swap3A_150, %swap3A_151], %swap3A_154 {strides = array<i32>} : memref<200x256xf32, #tpu.memory_space<vmem>>, vector<1x16xf32>,
      %swap3A_155 = arith.index_cast %scan3A_145 : i32 to index
      %swap3A_156 = arith.constant 160 : index
      %swap3A_157 = tpu.vector_load %arg7[%swap3A_155, %swap3A_156] {strides = array<i32>} : memref<200x256xf32, #tpu.memory_space<vmem>>, vector<1x16xf32>,
      %swap3A_158 = vector.shape_cast %swap3A_157 : vector<1x16xf32> to vector<16xf32>
      %swap3A_159 = vector.shape_cast %get3A_87 : vector<16xf32> to vector<1x16xf32>
      tpu.vector_store %arg7[%swap3A_155, %swap3A_156], %swap3A_159 {strides = array<i32>} : memref<200x256xf32, #tpu.memory_space<vmem>>, vector<1x16xf32>,
      %swap3A_160 = arith.index_cast %scan3A_145 : i32 to index
      %swap3A_161 = arith.constant 176 : index
      %swap3A_162 = tpu.vector_load %arg7[%swap3A_160, %swap3A_161] {strides = array<i32>} : memref<200x256xf32, #tpu.memory_space<vmem>>, vector<1x16xf32>,
      %swap3A_163 = vector.shape_cast %swap3A_162 : vector<1x16xf32> to vector<16xf32>
      %swap3A_164 = vector.shape_cast %get3A_91 : vector<16xf32> to vector<1x16xf32>
      tpu.vector_store %arg7[%swap3A_160, %swap3A_161], %swap3A_164 {strides = array<i32>} : memref<200x256xf32, #tpu.memory_space<vmem>>, vector<1x16xf32>,
      %swap3A_165 = arith.index_cast %scan3A_145 : i32 to index
      %swap3A_166 = arith.constant 192 : index
      %swap3A_167 = tpu.vector_load %arg7[%swap3A_165, %swap3A_166] {strides = array<i32>} : memref<200x256xf32, #tpu.memory_space<vmem>>, vector<1x16xf32>,
      %swap3A_168 = vector.shape_cast %swap3A_167 : vector<1x16xf32> to vector<16xf32>
      %swap3A_169 = vector.shape_cast %get3A_95 : vector<16xf32> to vector<1x16xf32>
      tpu.vector_store %arg7[%swap3A_165, %swap3A_166], %swap3A_169 {strides = array<i32>} : memref<200x256xf32, #tpu.memory_space<vmem>>, vector<1x16xf32>,
      %swap3A_170 = arith.index_cast %scan3A_145 : i32 to index
      %swap3A_171 = arith.constant 208 : index
      %swap3A_172 = tpu.vector_load %arg7[%swap3A_170, %swap3A_171] {strides = array<i32>} : memref<200x256xf32, #tpu.memory_space<vmem>>, vector<1x16xf32>,
      %swap3A_173 = vector.shape_cast %swap3A_172 : vector<1x16xf32> to vector<16xf32>
      %swap3A_174 = vector.shape_cast %get3A_99 : vector<16xf32> to vector<1x16xf32>
      tpu.vector_store %arg7[%swap3A_170, %swap3A_171], %swap3A_174 {strides = array<i32>} : memref<200x256xf32, #tpu.memory_space<vmem>>, vector<1x16xf32>,
      %swap3A_175 = arith.index_cast %scan3A_145 : i32 to index
      %swap3A_176 = arith.constant 224 : index
      %swap3A_177 = tpu.vector_load %arg7[%swap3A_175, %swap3A_176] {strides = array<i32>} : memref<200x256xf32, #tpu.memory_space<vmem>>, vector<1x16xf32>,
      %swap3A_178 = vector.shape_cast %swap3A_177 : vector<1x16xf32> to vector<16xf32>
      %swap3A_179 = vector.shape_cast %get3A_103 : vector<16xf32> to vector<1x16xf32>
      tpu.vector_store %arg7[%swap3A_175, %swap3A_176], %swap3A_179 {strides = array<i32>} : memref<200x256xf32, #tpu.memory_space<vmem>>, vector<1x16xf32>,
      %swap3A_180 = arith.index_cast %scan3A_145 : i32 to index
      %swap3A_181 = arith.constant 240 : index
      %swap3A_182 = tpu.vector_load %arg7[%swap3A_180, %swap3A_181] {strides = array<i32>} : memref<200x256xf32, #tpu.memory_space<vmem>>, vector<1x16xf32>,
      %swap3A_183 = vector.shape_cast %swap3A_182 : vector<1x16xf32> to vector<16xf32>
      %swap3A_184 = vector.shape_cast %get3A_107 : vector<16xf32> to vector<1x16xf32>
      tpu.vector_store %arg7[%swap3A_180, %swap3A_181], %swap3A_184 {strides = array<i32>} : memref<200x256xf32, #tpu.memory_space<vmem>>, vector<1x16xf32>,
    }
    %scan3A_113 = arith.constant 200 : i32
    %add3A_114 = arith.constant 4 : i32
    %add3A_115 = arith.addi %select_n3A_30, %add3A_114 : i32
    %dma_start3A_116 = arith.constant 0 : i32
    %dma_start3A_117 = arith.constant 0 : i32
    %dma_start3A_118 = tpu.memref_slice %arg4[%select_n3A_9, %add3A_115, %dma_start3A_116, %dma_start3A_117] : memref<8x200x200x256xf32, #tpu.memory_space<hbm>> -> memref<1x1x200x256xf32, #tpu.memory_space<hbm>>
    %dma_start3A_119 = tpu.memref_squeeze %dma_start3A_118 : memref<1x1x200x256xf32, #tpu.memory_space<hbm>> -> memref<200x256xf32, #tpu.memory_space<hbm>>
    %dma_start3A_120 = arith.constant 0 : i32
    %dma_start3A_121 = arith.constant 0 : i32
    %dma_start3A_122 = tpu.memref_slice %arg4[%select_n3A_9, %add3A_115, %dma_start3A_120, %dma_start3A_121] : memref<8x200x200x256xf32, #tpu.memory_space<hbm>> -> memref<1x1x200x256xf32, #tpu.memory_space<hbm>>
    %dma_start3A_123 = tpu.memref_squeeze %dma_start3A_122 : memref<1x1x200x256xf32, #tpu.memory_space<hbm>> -> memref<200x256xf32, #tpu.memory_space<hbm>>
    tpu.enqueue_dma source(%arg7 : memref<200x256xf32, #tpu.memory_space<vmem>>) target(%dma_start3A_123 : memref<200x256xf32, #tpu.memory_space<hbm>>) target_semaphore(%arg9 : memref<!tpu.dma_semaphore, #tpu.memory_space<semaphore_mem>>)
    %scan3A_124 = arith.constant 0 : i32
    %scan3A_125 = arith.constant 1 : i32
    %scan3A_126 = arith.constant 24 : i32
    %scan3A_127 = arith.addi %scan3A_125, %scan3A_126 : i32
    %scan3A_128 = arith.constant 1 : i32
    scf.for %scan3A_145 = %scan3A_125 to %scan3A_127 step %scan3A_128  : i32 {
      %mul3A_146 = arith.constant 2 : i32
      %mul3A_147 = arith.muli %mul3A_146, %scan3A_145 : i32
      %mul3A_148 = arith.constant 4 : i32
      %mul3A_149 = arith.muli %mul3A_148, %mul3A_147 : i32
      %add3A_150 = arith.addi %select_n3A_30, %mul3A_149 : i32
      %dma_wait3A_151 = arith.constant 0 : i32
      %dma_wait3A_152 = arith.constant 0 : i32
      %dma_wait3A_153 = tpu.memref_slice %arg4[%select_n3A_9, %select_n3A_30, %dma_wait3A_151, %dma_wait3A_152] : memref<8x200x200x256xf32, #tpu.memory_space<hbm>> -> memref<1x1x200x256xf32, #tpu.memory_space<hbm>>
      %dma_wait3A_154 = tpu.memref_squeeze %dma_wait3A_153 : memref<1x1x200x256xf32, #tpu.memory_space<hbm>> -> memref<200x256xf32, #tpu.memory_space<hbm>>
      %dma_wait3A_155 = arith.constant 0 : i32
      %dma_wait3A_156 = arith.constant 0 : i32
      %dma_wait3A_157 = tpu.memref_slice %arg4[%select_n3A_9, %select_n3A_30, %dma_wait3A_155, %dma_wait3A_156] : memref<8x200x200x256xf32, #tpu.memory_space<hbm>> -> memref<1x1x200x256xf32, #tpu.memory_space<hbm>>
      %dma_wait3A_158 = tpu.memref_squeeze %dma_wait3A_157 : memref<1x1x200x256xf32, #tpu.memory_space<hbm>> -> memref<200x256xf32, #tpu.memory_space<hbm>>
      tpu.wait_dma2 semaphore(%arg8 : memref<!tpu.dma_semaphore, #tpu.memory_space<semaphore_mem>>) src(%arg6 : memref<200x256xf32, #tpu.memory_space<vmem>>) dst(%dma_wait3A_158 : memref<200x256xf32, #tpu.memory_space<hbm>>)
      %get3A_159 = arith.index_cast %add3A_150 : i32 to index
      %get3A_160 = arith.constant 0 : index
      %get3A_161 = tpu.vector_load %arg5[%get3A_159, %get3A_160] {strides = array<i32>} : memref<200x128xf32, #tpu.memory_space<vmem>>, vector<1x16xf32>,
      %get3A_162 = vector.shape_cast %get3A_161 : vector<1x16xf32> to vector<16xf32>
      %get3A_163 = arith.index_cast %add3A_150 : i32 to index
      %get3A_164 = arith.constant 16 : index
      %get3A_165 = tpu.vector_load %arg5[%get3A_163, %get3A_164] {strides = array<i32>} : memref<200x128xf32, #tpu.memory_space<vmem>>, vector<1x16xf32>,
      %get3A_166 = vector.shape_cast %get3A_165 : vector<1x16xf32> to vector<16xf32>
      %get3A_167 = arith.index_cast %add3A_150 : i32 to index
      %get3A_168 = arith.constant 32 : index
      %get3A_169 = tpu.vector_load %arg5[%get3A_167, %get3A_168] {strides = array<i32>} : memref<200x128xf32, #tpu.memory_space<vmem>>, vector<1x16xf32>,
      %get3A_170 = vector.shape_cast %get3A_169 : vector<1x16xf32> to vector<16xf32>
      %get3A_171 = arith.index_cast %add3A_150 : i32 to index
      %get3A_172 = arith.constant 48 : index
      %get3A_173 = tpu.vector_load %arg5[%get3A_171, %get3A_172] {strides = array<i32>} : memref<200x128xf32, #tpu.memory_space<vmem>>, vector<1x16xf32>,
      %get3A_174 = vector.shape_cast %get3A_173 : vector<1x16xf32> to vector<16xf32>
      %get3A_175 = arith.index_cast %add3A_150 : i32 to index
      %get3A_176 = arith.constant 64 : index
      %get3A_177 = tpu.vector_load %arg5[%get3A_175, %get3A_176] {strides = array<i32>} : memref<200x128xf32, #tpu.memory_space<vmem>>, vector<1x16xf32>,
      %get3A_178 = vector.shape_cast %get3A_177 : vector<1x16xf32> to vector<16xf32>
      %get3A_179 = arith.index_cast %add3A_150 : i32 to index
      %get3A_180 = arith.constant 80 : index
      %get3A_181 = tpu.vector_load %arg5[%get3A_179, %get3A_180] {strides = array<i32>} : memref<200x128xf32, #tpu.memory_space<vmem>>, vector<1x16xf32>,
      %get3A_182 = vector.shape_cast %get3A_181 : vector<1x16xf32> to vector<16xf32>
      %get3A_183 = arith.index_cast %add3A_150 : i32 to index
      %get3A_184 = arith.constant 96 : index
      %get3A_185 = tpu.vector_load %arg5[%get3A_183, %get3A_184] {strides = array<i32>} : memref<200x128xf32, #tpu.memory_space<vmem>>, vector<1x16xf32>,
      %get3A_186 = vector.shape_cast %get3A_185 : vector<1x16xf32> to vector<16xf32>
      %get3A_187 = arith.index_cast %add3A_150 : i32 to index
      %get3A_188 = arith.constant 112 : index
      %get3A_189 = tpu.vector_load %arg5[%get3A_187, %get3A_188] {strides = array<i32>} : memref<200x128xf32, #tpu.memory_space<vmem>>, vector<1x16xf32>,
      %get3A_190 = vector.shape_cast %get3A_189 : vector<1x16xf32> to vector<16xf32>
      %scan3A_191 = arith.constant 0 : i32
      %scan3A_192 = arith.constant 0 : i32
      %scan3A_193 = arith.constant 200 : i32
      %scan3A_194 = arith.addi %scan3A_192, %scan3A_193 : i32
      %scan3A_195 = arith.constant 1 : i32
      scf.for %scan3A_261 = %scan3A_192 to %scan3A_194 step %scan3A_195  : i32 {
        %swap3A = arith.index_cast %scan3A_261 : i32 to index
        %swap3A_262 = arith.constant 128 : index
        %swap3A_263 = tpu.vector_load %arg6[%swap3A, %swap3A_262] {strides = array<i32>} : memref<200x256xf32, #tpu.memory_space<vmem>>, vector<1x16xf32>,
        %swap3A_264 = vector.shape_cast %swap3A_263 : vector<1x16xf32> to vector<16xf32>
        %swap3A_265 = vector.shape_cast %get3A_162 : vector<16xf32> to vector<1x16xf32>
        tpu.vector_store %arg6[%swap3A, %swap3A_262], %swap3A_265 {strides = array<i32>} : memref<200x256xf32, #tpu.memory_space<vmem>>, vector<1x16xf32>,
        %swap3A_266 = arith.index_cast %scan3A_261 : i32 to index
        %swap3A_267 = arith.constant 144 : index
        %swap3A_268 = tpu.vector_load %arg6[%swap3A_266, %swap3A_267] {strides = array<i32>} : memref<200x256xf32, #tpu.memory_space<vmem>>, vector<1x16xf32>,
        %swap3A_269 = vector.shape_cast %swap3A_268 : vector<1x16xf32> to vector<16xf32>
        %swap3A_270 = vector.shape_cast %get3A_166 : vector<16xf32> to vector<1x16xf32>
        tpu.vector_store %arg6[%swap3A_266, %swap3A_267], %swap3A_270 {strides = array<i32>} : memref<200x256xf32, #tpu.memory_space<vmem>>, vector<1x16xf32>,
        %swap3A_271 = arith.index_cast %scan3A_261 : i32 to index
        %swap3A_272 = arith.constant 160 : index
        %swap3A_273 = tpu.vector_load %arg6[%swap3A_271, %swap3A_272] {strides = array<i32>} : memref<200x256xf32, #tpu.memory_space<vmem>>, vector<1x16xf32>,
        %swap3A_274 = vector.shape_cast %swap3A_273 : vector<1x16xf32> to vector<16xf32>
        %swap3A_275 = vector.shape_cast %get3A_170 : vector<16xf32> to vector<1x16xf32>
        tpu.vector_store %arg6[%swap3A_271, %swap3A_272], %swap3A_275 {strides = array<i32>} : memref<200x256xf32, #tpu.memory_space<vmem>>, vector<1x16xf32>,
        %swap3A_276 = arith.index_cast %scan3A_261 : i32 to index
        %swap3A_277 = arith.constant 176 : index
        %swap3A_278 = tpu.vector_load %arg6[%swap3A_276, %swap3A_277] {strides = array<i32>} : memref<200x256xf32, #tpu.memory_space<vmem>>, vector<1x16xf32>,
        %swap3A_279 = vector.shape_cast %swap3A_278 : vector<1x16xf32> to vector<16xf32>
        %swap3A_280 = vector.shape_cast %get3A_174 : vector<16xf32> to vector<1x16xf32>
        tpu.vector_store %arg6[%swap3A_276, %swap3A_277], %swap3A_280 {strides = array<i32>} : memref<200x256xf32, #tpu.memory_space<vmem>>, vector<1x16xf32>,
        %swap3A_281 = arith.index_cast %scan3A_261 : i32 to index
        %swap3A_282 = arith.constant 192 : index
        %swap3A_283 = tpu.vector_load %arg6[%swap3A_281, %swap3A_282] {strides = array<i32>} : memref<200x256xf32, #tpu.memory_space<vmem>>, vector<1x16xf32>,
        %swap3A_284 = vector.shape_cast %swap3A_283 : vector<1x16xf32> to vector<16xf32>
        %swap3A_285 = vector.shape_cast %get3A_178 : vector<16xf32> to vector<1x16xf32>
        tpu.vector_store %arg6[%swap3A_281, %swap3A_282], %swap3A_285 {strides = array<i32>} : memref<200x256xf32, #tpu.memory_space<vmem>>, vector<1x16xf32>,
        %swap3A_286 = arith.index_cast %scan3A_261 : i32 to index
        %swap3A_287 = arith.constant 208 : index
        %swap3A_288 = tpu.vector_load %arg6[%swap3A_286, %swap3A_287] {strides = array<i32>} : memref<200x256xf32, #tpu.memory_space<vmem>>, vector<1x16xf32>,
        %swap3A_289 = vector.shape_cast %swap3A_288 : vector<1x16xf32> to vector<16xf32>
        %swap3A_290 = vector.shape_cast %get3A_182 : vector<16xf32> to vector<1x16xf32>
        tpu.vector_store %arg6[%swap3A_286, %swap3A_287], %swap3A_290 {strides = array<i32>} : memref<200x256xf32, #tpu.memory_space<vmem>>, vector<1x16xf32>,
        %swap3A_291 = arith.index_cast %scan3A_261 : i32 to index
        %swap3A_292 = arith.constant 224 : index
        %swap3A_293 = tpu.vector_load %arg6[%swap3A_291, %swap3A_292] {strides = array<i32>} : memref<200x256xf32, #tpu.memory_space<vmem>>, vector<1x16xf32>,
        %swap3A_294 = vector.shape_cast %swap3A_293 : vector<1x16xf32> to vector<16xf32>
        %swap3A_295 = vector.shape_cast %get3A_186 : vector<16xf32> to vector<1x16xf32>
        tpu.vector_store %arg6[%swap3A_291, %swap3A_292], %swap3A_295 {strides = array<i32>} : memref<200x256xf32, #tpu.memory_space<vmem>>, vector<1x16xf32>,
        %swap3A_296 = arith.index_cast %scan3A_261 : i32 to index
        %swap3A_297 = arith.constant 240 : index
        %swap3A_298 = tpu.vector_load %arg6[%swap3A_296, %swap3A_297] {strides = array<i32>} : memref<200x256xf32, #tpu.memory_space<vmem>>, vector<1x16xf32>,
        %swap3A_299 = vector.shape_cast %swap3A_298 : vector<1x16xf32> to vector<16xf32>
        %swap3A_300 = vector.shape_cast %get3A_190 : vector<16xf32> to vector<1x16xf32>
        tpu.vector_store %arg6[%swap3A_296, %swap3A_297], %swap3A_300 {strides = array<i32>} : memref<200x256xf32, #tpu.memory_space<vmem>>, vector<1x16xf32>,
      }
      %scan3A_196 = arith.constant 200 : i32
      %dma_start3A_197 = arith.constant 0 : i32
      %dma_start3A_198 = arith.constant 0 : i32
      %dma_start3A_199 = tpu.memref_slice %arg4[%select_n3A_9, %add3A_150, %dma_start3A_197, %dma_start3A_198] : memref<8x200x200x256xf32, #tpu.memory_space<hbm>> -> memref<1x1x200x256xf32, #tpu.memory_space<hbm>>
      %dma_start3A_200 = tpu.memref_squeeze %dma_start3A_199 : memref<1x1x200x256xf32, #tpu.memory_space<hbm>> -> memref<200x256xf32, #tpu.memory_space<hbm>>
      %dma_start3A_201 = arith.constant 0 : i32
      %dma_start3A_202 = arith.constant 0 : i32
      %dma_start3A_203 = tpu.memref_slice %arg4[%select_n3A_9, %add3A_150, %dma_start3A_201, %dma_start3A_202] : memref<8x200x200x256xf32, #tpu.memory_space<hbm>> -> memref<1x1x200x256xf32, #tpu.memory_space<hbm>>
      %dma_start3A_204 = tpu.memref_squeeze %dma_start3A_203 : memref<1x1x200x256xf32, #tpu.memory_space<hbm>> -> memref<200x256xf32, #tpu.memory_space<hbm>>
      tpu.enqueue_dma source(%arg6 : memref<200x256xf32, #tpu.memory_space<vmem>>) target(%dma_start3A_204 : memref<200x256xf32, #tpu.memory_space<hbm>>) target_semaphore(%arg8 : memref<!tpu.dma_semaphore, #tpu.memory_space<semaphore_mem>>)
      %add3A_205 = arith.constant 4 : i32
      %add3A_206 = arith.addi %add3A_150, %add3A_205 : i32
      %dma_wait3A_207 = arith.constant 0 : i32
      %dma_wait3A_208 = arith.constant 0 : i32
      %dma_wait3A_209 = tpu.memref_slice %arg4[%select_n3A_9, %select_n3A_30, %dma_wait3A_207, %dma_wait3A_208] : memref<8x200x200x256xf32, #tpu.memory_space<hbm>> -> memref<1x1x200x256xf32, #tpu.memory_space<hbm>>
      %dma_wait3A_210 = tpu.memref_squeeze %dma_wait3A_209 : memref<1x1x200x256xf32, #tpu.memory_space<hbm>> -> memref<200x256xf32, #tpu.memory_space<hbm>>
      %dma_wait3A_211 = arith.constant 0 : i32
      %dma_wait3A_212 = arith.constant 0 : i32
      %dma_wait3A_213 = tpu.memref_slice %arg4[%select_n3A_9, %select_n3A_30, %dma_wait3A_211, %dma_wait3A_212] : memref<8x200x200x256xf32, #tpu.memory_space<hbm>> -> memref<1x1x200x256xf32, #tpu.memory_space<hbm>>
      %dma_wait3A_214 = tpu.memref_squeeze %dma_wait3A_213 : memref<1x1x200x256xf32, #tpu.memory_space<hbm>> -> memref<200x256xf32, #tpu.memory_space<hbm>>
      tpu.wait_dma2 semaphore(%arg9 : memref<!tpu.dma_semaphore, #tpu.memory_space<semaphore_mem>>) src(%arg7 : memref<200x256xf32, #tpu.memory_space<vmem>>) dst(%dma_wait3A_214 : memref<200x256xf32, #tpu.memory_space<hbm>>)
      %get3A_215 = arith.index_cast %add3A_206 : i32 to index
      %get3A_216 = arith.constant 0 : index
      %get3A_217 = tpu.vector_load %arg5[%get3A_215, %get3A_216] {strides = array<i32>} : memref<200x128xf32, #tpu.memory_space<vmem>>, vector<1x16xf32>,
      %get3A_218 = vector.shape_cast %get3A_217 : vector<1x16xf32> to vector<16xf32>
      %get3A_219 = arith.index_cast %add3A_206 : i32 to index
      %get3A_220 = arith.constant 16 : index
      %get3A_221 = tpu.vector_load %arg5[%get3A_219, %get3A_220] {strides = array<i32>} : memref<200x128xf32, #tpu.memory_space<vmem>>, vector<1x16xf32>,
      %get3A_222 = vector.shape_cast %get3A_221 : vector<1x16xf32> to vector<16xf32>
      %get3A_223 = arith.index_cast %add3A_206 : i32 to index
      %get3A_224 = arith.constant 32 : index
      %get3A_225 = tpu.vector_load %arg5[%get3A_223, %get3A_224] {strides = array<i32>} : memref<200x128xf32, #tpu.memory_space<vmem>>, vector<1x16xf32>,
      %get3A_226 = vector.shape_cast %get3A_225 : vector<1x16xf32> to vector<16xf32>
      %get3A_227 = arith.index_cast %add3A_206 : i32 to index
      %get3A_228 = arith.constant 48 : index
      %get3A_229 = tpu.vector_load %arg5[%get3A_227, %get3A_228] {strides = array<i32>} : memref<200x128xf32, #tpu.memory_space<vmem>>, vector<1x16xf32>,
      %get3A_230 = vector.shape_cast %get3A_229 : vector<1x16xf32> to vector<16xf32>
      %get3A_231 = arith.index_cast %add3A_206 : i32 to index
      %get3A_232 = arith.constant 64 : index
      %get3A_233 = tpu.vector_load %arg5[%get3A_231, %get3A_232] {strides = array<i32>} : memref<200x128xf32, #tpu.memory_space<vmem>>, vector<1x16xf32>,
      %get3A_234 = vector.shape_cast %get3A_233 : vector<1x16xf32> to vector<16xf32>
      %get3A_235 = arith.index_cast %add3A_206 : i32 to index
      %get3A_236 = arith.constant 80 : index
      %get3A_237 = tpu.vector_load %arg5[%get3A_235, %get3A_236] {strides = array<i32>} : memref<200x128xf32, #tpu.memory_space<vmem>>, vector<1x16xf32>,
      %get3A_238 = vector.shape_cast %get3A_237 : vector<1x16xf32> to vector<16xf32>
      %get3A_239 = arith.index_cast %add3A_206 : i32 to index
      %get3A_240 = arith.constant 96 : index
      %get3A_241 = tpu.vector_load %arg5[%get3A_239, %get3A_240] {strides = array<i32>} : memref<200x128xf32, #tpu.memory_space<vmem>>, vector<1x16xf32>,
      %get3A_242 = vector.shape_cast %get3A_241 : vector<1x16xf32> to vector<16xf32>
      %get3A_243 = arith.index_cast %add3A_206 : i32 to index
      %get3A_244 = arith.constant 112 : index
      %get3A_245 = tpu.vector_load %arg5[%get3A_243, %get3A_244] {strides = array<i32>} : memref<200x128xf32, #tpu.memory_space<vmem>>, vector<1x16xf32>,
      %get3A_246 = vector.shape_cast %get3A_245 : vector<1x16xf32> to vector<16xf32>
      %scan3A_247 = arith.constant 0 : i32
      %scan3A_248 = arith.constant 0 : i32
      %scan3A_249 = arith.constant 200 : i32
      %scan3A_250 = arith.addi %scan3A_248, %scan3A_249 : i32
      %scan3A_251 = arith.constant 1 : i32
      scf.for %scan3A_261 = %scan3A_248 to %scan3A_250 step %scan3A_251  : i32 {
        %swap3A = arith.index_cast %scan3A_261 : i32 to index
        %swap3A_262 = arith.constant 128 : index
        %swap3A_263 = tpu.vector_load %arg7[%swap3A, %swap3A_262] {strides = array<i32>} : memref<200x256xf32, #tpu.memory_space<vmem>>, vector<1x16xf32>,
        %swap3A_264 = vector.shape_cast %swap3A_263 : vector<1x16xf32> to vector<16xf32>
        %swap3A_265 = vector.shape_cast %get3A_218 : vector<16xf32> to vector<1x16xf32>
        tpu.vector_store %arg7[%swap3A, %swap3A_262], %swap3A_265 {strides = array<i32>} : memref<200x256xf32, #tpu.memory_space<vmem>>, vector<1x16xf32>,
        %swap3A_266 = arith.index_cast %scan3A_261 : i32 to index
        %swap3A_267 = arith.constant 144 : index
        %swap3A_268 = tpu.vector_load %arg7[%swap3A_266, %swap3A_267] {strides = array<i32>} : memref<200x256xf32, #tpu.memory_space<vmem>>, vector<1x16xf32>,
        %swap3A_269 = vector.shape_cast %swap3A_268 : vector<1x16xf32> to vector<16xf32>
        %swap3A_270 = vector.shape_cast %get3A_222 : vector<16xf32> to vector<1x16xf32>
        tpu.vector_store %arg7[%swap3A_266, %swap3A_267], %swap3A_270 {strides = array<i32>} : memref<200x256xf32, #tpu.memory_space<vmem>>, vector<1x16xf32>,
        %swap3A_271 = arith.index_cast %scan3A_261 : i32 to index
        %swap3A_272 = arith.constant 160 : index
        %swap3A_273 = tpu.vector_load %arg7[%swap3A_271, %swap3A_272] {strides = array<i32>} : memref<200x256xf32, #tpu.memory_space<vmem>>, vector<1x16xf32>,
        %swap3A_274 = vector.shape_cast %swap3A_273 : vector<1x16xf32> to vector<16xf32>
        %swap3A_275 = vector.shape_cast %get3A_226 : vector<16xf32> to vector<1x16xf32>
        tpu.vector_store %arg7[%swap3A_271, %swap3A_272], %swap3A_275 {strides = array<i32>} : memref<200x256xf32, #tpu.memory_space<vmem>>, vector<1x16xf32>,
        %swap3A_276 = arith.index_cast %scan3A_261 : i32 to index
        %swap3A_277 = arith.constant 176 : index
        %swap3A_278 = tpu.vector_load %arg7[%swap3A_276, %swap3A_277] {strides = array<i32>} : memref<200x256xf32, #tpu.memory_space<vmem>>, vector<1x16xf32>,
        %swap3A_279 = vector.shape_cast %swap3A_278 : vector<1x16xf32> to vector<16xf32>
        %swap3A_280 = vector.shape_cast %get3A_230 : vector<16xf32> to vector<1x16xf32>
        tpu.vector_store %arg7[%swap3A_276, %swap3A_277], %swap3A_280 {strides = array<i32>} : memref<200x256xf32, #tpu.memory_space<vmem>>, vector<1x16xf32>,
        %swap3A_281 = arith.index_cast %scan3A_261 : i32 to index
        %swap3A_282 = arith.constant 192 : index
        %swap3A_283 = tpu.vector_load %arg7[%swap3A_281, %swap3A_282] {strides = array<i32>} : memref<200x256xf32, #tpu.memory_space<vmem>>, vector<1x16xf32>,
        %swap3A_284 = vector.shape_cast %swap3A_283 : vector<1x16xf32> to vector<16xf32>
        %swap3A_285 = vector.shape_cast %get3A_234 : vector<16xf32> to vector<1x16xf32>
        tpu.vector_store %arg7[%swap3A_281, %swap3A_282], %swap3A_285 {strides = array<i32>} : memref<200x256xf32, #tpu.memory_space<vmem>>, vector<1x16xf32>,
        %swap3A_286 = arith.index_cast %scan3A_261 : i32 to index
        %swap3A_287 = arith.constant 208 : index
        %swap3A_288 = tpu.vector_load %arg7[%swap3A_286, %swap3A_287] {strides = array<i32>} : memref<200x256xf32, #tpu.memory_space<vmem>>, vector<1x16xf32>,
        %swap3A_289 = vector.shape_cast %swap3A_288 : vector<1x16xf32> to vector<16xf32>
        %swap3A_290 = vector.shape_cast %get3A_238 : vector<16xf32> to vector<1x16xf32>
        tpu.vector_store %arg7[%swap3A_286, %swap3A_287], %swap3A_290 {strides = array<i32>} : memref<200x256xf32, #tpu.memory_space<vmem>>, vector<1x16xf32>,
        %swap3A_291 = arith.index_cast %scan3A_261 : i32 to index
        %swap3A_292 = arith.constant 224 : index
        %swap3A_293 = tpu.vector_load %arg7[%swap3A_291, %swap3A_292] {strides = array<i32>} : memref<200x256xf32, #tpu.memory_space<vmem>>, vector<1x16xf32>,
        %swap3A_294 = vector.shape_cast %swap3A_293 : vector<1x16xf32> to vector<16xf32>
        %swap3A_295 = vector.shape_cast %get3A_242 : vector<16xf32> to vector<1x16xf32>
        tpu.vector_store %arg7[%swap3A_291, %swap3A_292], %swap3A_295 {strides = array<i32>} : memref<200x256xf32, #tpu.memory_space<vmem>>, vector<1x16xf32>,
        %swap3A_296 = arith.index_cast %scan3A_261 : i32 to index
        %swap3A_297 = arith.constant 240 : index
        %swap3A_298 = tpu.vector_load %arg7[%swap3A_296, %swap3A_297] {strides = array<i32>} : memref<200x256xf32, #tpu.memory_space<vmem>>, vector<1x16xf32>,
        %swap3A_299 = vector.shape_cast %swap3A_298 : vector<1x16xf32> to vector<16xf32>
        %swap3A_300 = vector.shape_cast %get3A_246 : vector<16xf32> to vector<1x16xf32>
        tpu.vector_store %arg7[%swap3A_296, %swap3A_297], %swap3A_300 {strides = array<i32>} : memref<200x256xf32, #tpu.memory_space<vmem>>, vector<1x16xf32>,
      }
      %scan3A_252 = arith.constant 200 : i32
      %dma_start3A_253 = arith.constant 0 : i32
      %dma_start3A_254 = arith.constant 0 : i32
      %dma_start3A_255 = tpu.memref_slice %arg4[%select_n3A_9, %add3A_206, %dma_start3A_253, %dma_start3A_254] : memref<8x200x200x256xf32, #tpu.memory_space<hbm>> -> memref<1x1x200x256xf32, #tpu.memory_space<hbm>>
      %dma_start3A_256 = tpu.memref_squeeze %dma_start3A_255 : memref<1x1x200x256xf32, #tpu.memory_space<hbm>> -> memref<200x256xf32, #tpu.memory_space<hbm>>
      %dma_start3A_257 = arith.constant 0 : i32
      %dma_start3A_258 = arith.constant 0 : i32
      %dma_start3A_259 = tpu.memref_slice %arg4[%select_n3A_9, %add3A_206, %dma_start3A_257, %dma_start3A_258] : memref<8x200x200x256xf32, #tpu.memory_space<hbm>> -> memref<1x1x200x256xf32, #tpu.memory_space<hbm>>
      %dma_start3A_260 = tpu.memref_squeeze %dma_start3A_259 : memref<1x1x200x256xf32, #tpu.memory_space<hbm>> -> memref<200x256xf32, #tpu.memory_space<hbm>>
      tpu.enqueue_dma source(%arg7 : memref<200x256xf32, #tpu.memory_space<vmem>>) target(%dma_start3A_260 : memref<200x256xf32, #tpu.memory_space<hbm>>) target_semaphore(%arg9 : memref<!tpu.dma_semaphore, #tpu.memory_space<semaphore_mem>>)
    }
    %scan3A_129 = arith.constant 24 : i32
    %dma_wait3A = arith.constant 0 : i32
    %dma_wait3A_130 = arith.constant 0 : i32
    %dma_wait3A_131 = tpu.memref_slice %arg4[%select_n3A_9, %select_n3A_30, %dma_wait3A, %dma_wait3A_130] : memref<8x200x200x256xf32, #tpu.memory_space<hbm>> -> memref<1x1x200x256xf32, #tpu.memory_space<hbm>>
    %dma_wait3A_132 = tpu.memref_squeeze %dma_wait3A_131 : memref<1x1x200x256xf32, #tpu.memory_space<hbm>> -> memref<200x256xf32, #tpu.memory_space<hbm>>
    %dma_wait3A_133 = arith.constant 0 : i32
    %dma_wait3A_134 = arith.constant 0 : i32
    %dma_wait3A_135 = tpu.memref_slice %arg4[%select_n3A_9, %select_n3A_30, %dma_wait3A_133, %dma_wait3A_134] : memref<8x200x200x256xf32, #tpu.memory_space<hbm>> -> memref<1x1x200x256xf32, #tpu.memory_space<hbm>>
    %dma_wait3A_136 = tpu.memref_squeeze %dma_wait3A_135 : memref<1x1x200x256xf32, #tpu.memory_space<hbm>> -> memref<200x256xf32, #tpu.memory_space<hbm>>
    tpu.wait_dma2 semaphore(%arg8 : memref<!tpu.dma_semaphore, #tpu.memory_space<semaphore_mem>>) src(%arg6 : memref<200x256xf32, #tpu.memory_space<vmem>>) dst(%dma_wait3A_136 : memref<200x256xf32, #tpu.memory_space<hbm>>)
    %dma_wait3A_137 = arith.constant 0 : i32
    %dma_wait3A_138 = arith.constant 0 : i32
    %dma_wait3A_139 = tpu.memref_slice %arg4[%select_n3A_9, %select_n3A_30, %dma_wait3A_137, %dma_wait3A_138] : memref<8x200x200x256xf32, #tpu.memory_space<hbm>> -> memref<1x1x200x256xf32, #tpu.memory_space<hbm>>
    %dma_wait3A_140 = tpu.memref_squeeze %dma_wait3A_139 : memref<1x1x200x256xf32, #tpu.memory_space<hbm>> -> memref<200x256xf32, #tpu.memory_space<hbm>>
    %dma_wait3A_141 = arith.constant 0 : i32
    %dma_wait3A_142 = arith.constant 0 : i32
    %dma_wait3A_143 = tpu.memref_slice %arg4[%select_n3A_9, %select_n3A_30, %dma_wait3A_141, %dma_wait3A_142] : memref<8x200x200x256xf32, #tpu.memory_space<hbm>> -> memref<1x1x200x256xf32, #tpu.memory_space<hbm>>
    %dma_wait3A_144 = tpu.memref_squeeze %dma_wait3A_143 : memref<1x1x200x256xf32, #tpu.memory_space<hbm>> -> memref<200x256xf32, #tpu.memory_space<hbm>>
    tpu.wait_dma2 semaphore(%arg9 : memref<!tpu.dma_semaphore, #tpu.memory_space<semaphore_mem>>) src(%arg7 : memref<200x256xf32, #tpu.memory_space<vmem>>) dst(%dma_wait3A_144 : memref<200x256xf32, #tpu.memory_space<hbm>>)
    return
  }
}

</mosaic_0001>

<sc_bundles>
// kernel: kernel.3.cloned.1.call-start
scs
__scs_entry_jumppad:
0x0: {  	(pc) =	sbr.rel $0x88, $3  }
0x1: {  	(tag) =	ssettag $0x0;
	lr =	simm.s32 $0x1  }
0x2: {  	[smem:$0x3F9F] =	sst lr;
	_ =	strace $0xD0000000  }
0x3: {  	_ = 	snop  }
0x4: {  	_ = 	snop  }
0x5: {  	_ = 	snop  }
0x6: {  	_ = 	snop  }
0x7: {  	_ = 	snop  }
__scs_overlays_trampoline_lowered:
0x8: {  	[smem:$0x3FAE] =	sst s0  }
0x9: {  	[smem:$0x3FAF] =	sst s1  }
0xa: {  	[smem:$0x3FB0] =	sst s2  }
0xb: {  	[smem:$0x3FB1] =	sst s3  }
0xc: {  	[smem:$0x3FB2] =	sst s4  }
0xd: {  	[smem:$0x3FB3] =	sst s5  }
0xe: {  	[smem:$0x3FB4] =	sst s6  }
0xf: {  	[smem:$0x3FB5] =	sst s7  }
0x10: {  	[smem:$0x3FB6] =	sst s8  }
0x11: {  	[smem:$0x3FB7] =	sst s9;
	s0 =	simm.s32 @!p0 $0x0  }
0x12: {  	s1 =	sld [smem:$0x3F9D];
	s0 =	simm.s32 @p0 $0x1  }
0x13: {  	[smem:$0x3FB8] =	sst s0;
	s0 =	simm.s32 @!p1 $0x0  }
0x14: {  	s2 =	sld [smem:$0x3F9C];
	s0 =	simm.s32 @p1 $0x1  }
0x15: {  	[smem:$0x3FB9] =	sst s0;
	s0 =	simm.s32 @!p2 $0x0  }
0x16: {  	s3 =	sld [smem:$0x3FDB];
	s0 =	simm.s32 @p2 $0x1  }
0x17: {  	s4 =	simm.s32 $0x1BF5;
	[smem:$0x3FBB] =	sst s0  }
0x18: {  	s0 =	sld [smem:$0x3F9E];
	_ =	swait.ge [sflag:s4], $0x0  }
0x19: {  	s7 =	sld [smem:$0x3F9F]  }
0x1a: {  	s8 =	sadd.s32 $0xFFFFE003, lr  }
0x1b: {  	s9 =	sadd.s32 $0xFFFFFEF7, lr;
	s5 =	simm.s32 $0xFFFFFFFF;
	p2 =	slt.u32 s8, $0xFFFFF086  }
0x1c: {  	p1 =	slt.u32 s9, $0xF7A;
	s5 =	simm.s32 @!p2 $0x0  }
0x1d: {  	s5 =	simm.s32 @p1 $0x1;
	p0 =	seq.s32 s7, s2  }
0x1e: {  	s7 =	smul.u32 @!p0 $0xF7A, s2;
	p2 =	seq.s32 @!p0 s5, $0x0  }
0x1f: {  	s9 =	smul.u32 $0xF7A, s1;
	s8 =	simm.s32 @!p0 $0x1BF5;
	p2 =	por !p2, p0  }
0x20: {  	[sflag:s8] =	ssyncset.s32 @!p0 $0xFFFFF086;
	s6 =	sadd.s32 @!p0 s3, s7;
	s7 =	simm.s32 @!p0 $0x108  }
0x21: {  	s3 =	sadd.s32 s3, s9;
	s6 =	sadd.s32 @!p0 $0x88, s6;
	s7 =	simm.s32 @p2 $0x1082  }
0x22: {  	[simem:s7], [sflag:s8] =	dma.local @!p0 [hbm:s6], $0xF7A  }
0x23: {  	s9 =	sor.u32 $0xD0000000, s2;
	s6 =	simm.s32 $0x108;
	_ =	swait.ge @!p0 [sflag:s8], $0x0  }
0x24: {  	s3 =	sadd.s32 $0x88, s3;
	s6 =	simm.s32 @!p1 $0x1082;
	[sflag:s4] =	ssyncset.s32 $0xFFFFF086  }
0x25: {  	[simem:s6], [sflag:s4] =	dma.local [hbm:s3], $0xF7A  }
0x26: {  	[smem:$0x3F9F] =	sst s1;
	(tag) =	ssettag s2;
	_ =	strace s9  }
0x27: {  	s1 =	sld [smem:$0x3FAF]  }
0x28: {  	s2 =	sld [smem:$0x3FB0]  }
0x29: {  	s4 =	sld [smem:$0x3FB2]  }
0x2a: {  	p0 =	seq.s32 s5, $0x0;
	s5 =	sld [smem:$0x3FB3]  }
0x2b: {  	s6 =	sld [smem:$0x3FB4]  }
0x2c: {  	s7 =	sld [smem:$0x3FB5]  }
0x2d: {  	s3 =	simm.s32 $0x108;
	s8 =	sld [smem:$0x3FB6]  }
0x2e: {  	s3 =	simm.s32 @!p0 $0x1082;
	s9 =	sld [smem:$0x3FB7]  }
0x2f: {  	lr =	sadd.s32 s0, s3;
	s0 =	sld [smem:$0x3FAE]  }
0x30: {  	s3 =	sld [smem:$0x3FB1]  }
0x31: {  	[smem:$0x3FBA] =	sst s10  }
0x32: {  	s10 =	sld [smem:$0x3FB8];
	_ =	sdelay $0x3  }
0x33: {  	p0 =	seq.s32 s10, $0x1;
	s10 =	sld [smem:$0x3FBA];
	_ =	sdelay $0x3  }
0x34: {  	[smem:$0x3FBA] =	sst s10  }
0x35: {  	s10 =	sld [smem:$0x3FB9];
	_ =	sdelay $0x3  }
0x36: {  	p1 =	seq.s32 s10, $0x1;
	s10 =	sld [smem:$0x3FBA];
	_ =	sdelay $0x3  }
0x37: {  	[smem:$0x3FBA] =	sst s10  }
0x38: {  	s10 =	sld [smem:$0x3FBB]  }
0x39: {  	_ = 	snop;
	(pc) =	sbr.ind lr, $3  }
0x3a: {  	_ = 	snop  }
0x3b: {  	_ = 	snop  }
0x3c: {  	p2 =	seq.s32 s10, $0x1;
	s10 =	sld [smem:$0x3FBA]  }
0x3d: {  	_ =	shalt  }
0x3e: {  	_ =	shalt  }
0x3f: {  	_ =	shalt  }
0x40: {  	_ =	shalt  }
0x41: {  	_ =	shalt  }
0x42: {  	_ =	shalt  }
0x43: {  	_ =	shalt  }
0x44: {  	_ =	shalt  }
0x45: {  	_ =	shalt  }
0x46: {  	_ =	shalt  }
0x47: {  	_ =	shalt  }
0x48: {  	_ =	shalt  }
0x49: {  	_ =	shalt  }
0x4a: {  	_ =	shalt  }
0x4b: {  	_ =	shalt  }
0x4c: {  	_ =	shalt  }
0x4d: {  	_ =	shalt  }
0x4e: {  	_ =	shalt  }
0x4f: {  	_ =	shalt  }
0x50: {  	_ =	shalt  }
0x51: {  	_ =	shalt  }
0x52: {  	_ =	shalt  }
0x53: {  	_ =	shalt  }
0x54: {  	_ =	shalt  }
0x55: {  	_ =	shalt  }
0x56: {  	_ =	shalt  }
0x57: {  	_ =	shalt  }
0x58: {  	_ =	shalt  }
0x59: {  	_ =	shalt  }
0x5a: {  	_ =	shalt  }
0x5b: {  	_ =	shalt  }
0x5c: {  	_ =	shalt  }
0x5d: {  	_ =	shalt  }
0x5e: {  	_ =	shalt  }
0x5f: {  	_ =	shalt  }
0x60: {  	_ =	shalt  }
0x61: {  	_ =	shalt  }
0x62: {  	_ =	shalt  }
0x63: {  	_ =	shalt  }
0x64: {  	_ =	shalt  }
0x65: {  	_ =	shalt  }
0x66: {  	_ =	shalt  }
0x67: {  	_ =	shalt  }
0x68: {  	_ =	shalt  }
0x69: {  	_ =	shalt  }
0x6a: {  	_ =	shalt  }
0x6b: {  	_ =	shalt  }
0x6c: {  	_ =	shalt  }
0x6d: {  	_ =	shalt  }
0x6e: {  	_ =	shalt  }
0x6f: {  	_ =	shalt  }
0x70: {  	_ =	shalt  }
0x71: {  	_ =	shalt  }
0x72: {  	_ =	shalt  }
0x73: {  	_ =	shalt  }
0x74: {  	_ =	shalt  }
0x75: {  	_ =	shalt  }
0x76: {  	_ =	shalt  }
0x77: {  	_ =	shalt  }
0x78: {  	_ =	shalt  }
0x79: {  	_ =	shalt  }
0x7a: {  	_ =	shalt  }
0x7b: {  	_ =	shalt  }
0x7c: {  	_ =	shalt  }
0x7d: {  	_ =	shalt  }
0x7e: {  	_ =	shalt  }
0x7f: {  	_ =	shalt  }
0x80: {  	_ =	shalt  }
0x81: {  	_ =	shalt  }
0x82: {  	_ =	shalt  }
0x83: {  	_ =	shalt  }
0x84: {  	_ =	shalt  }
0x85: {  	_ =	shalt  }
0x86: {  	_ =	shalt  }
0x87: {  	_ =	shalt  }
.Lfunc_end0:
.L_simem_size_0:
called_computation_lowered:
.L_overlay_start_0:
0x88: {  	s2 =	sld [smem:$0x3FD9]  }
0x89: {  	s3 =	sld [smem:$0x3FFE];
	_ =	sdelay $0x1  }
0x8a: {  	s1 =	srdreg.scid  }
0x8b: {  	s0 =	sand.u32 $0x1, s1  }
0x8c: {  	s18 =	sshll.u32 s0, $0xA;
	s2 =	sadd.s32 s3, s2  }
0x8d: {  	s2 =	sadd.s32 s2, s18  }
0x8e: {  	[smem:$0x3FC6] =	sst s2  }
0x8f: {  	_ = 	snop  }
0x90: {  	s2 =	sld [smem:$0x3FC9]  }
0x91: {  	s19 =	sld [smem:$0x3FC8]  }
0x92: {  	s4 =	sld [smem:$0x3FD0];
	(tm) =	ssettm $0x1  }
0x93: {  	s5 =	sld [smem:$0x3FFB];
	_ =	sdelay $0x3  }
0x94: {  	_ =	strace s5  }
0x95: {  	s5 =	sld [smem:$0x3FFC];
	_ =	sdelay $0x3  }
0x96: {  	_ =	strace s5  }
0x97: {  	s5 =	sld [smem:$0x3FFD];
	_ =	sdelay $0x3  }
0x98: {  	_ =	strace s5  }
0x99: {  	_ =	strace $0x8FFFFFFF  }
0x9a: {  	s20 =	sld [smem:$0x3FDB];
	_ =	sdelay $0x1  }
0x9b: {  	s6 =	simm.s32 $_scs_section_size  }
0x9c: {  	s7 =	simm.s32 $_size__tile_overlayer_lowered;
	s8 =	simm.s32 $_tile_overlayer_lowered  }
0x9d: {  	s23 =	simm.s32 $0x1BFF;
	s22 =	sshll.u32 s8, $0x1;
	s5 =	sadd.s32 s6, s20  }
0x9e: {  	s9 =	simm.s32 $0x0;
	s21 =	sshll.u32 s7, $0x1;
	s7 =	sadd.s32 s22, s5  }
0x9f: {  	[timem:s9], [sflag:s23] =	dma.local [hbm:s7], s21  }
0xa0: {  	_ =	swait.ge [sflag:s23], s21  }
0xa1: {  	s6 =	ssub.s32 $0x0, s21;
	[sflag:s23] =	ssyncset.done $0x0  }
0xa2: {  	[sflag:s23] =	ssyncadd.s32 s6;
	_ =	sdelay $0x1  }
0xa3: {  	s24 =	simm.s32 $0x1B8B  }
0xa4: {  	_ =	swait.ge [sflag:s24], $0x1  }
0xa5: {  	[sflag:s24] =	ssyncset.done $0x0  }
0xa6: {  	s25 =	simm.s32 $0x1B8E;
	[sflag:s24] =	ssyncadd.s32 $0xFFFFFFFF  }
0xa7: {  	s26 =	simm.s32 $execute0_lowered;
	[smem:$0x3FD2] =	sst s25  }
0xa8: {  	s6 =	sshll.u32 s26, $0x1;
	_ =	strace $0x80000046;
	[dreg:$0x1] =	wrdreg $0xFFFFFFFF  }
0xa9: {  	s28 =	simm.s32 $_size_execute0_lowered;
	s5 =	sadd.s32 s5, s6;
	[dreg:$0x0] =	wrdreg $0x0  }
0xaa: {  	s6 =	sshll.u32 s28, $0x1;
	[dreg:$0x2] =	wrdreg s5  }
0xab: {  	[dreg:$0x3] =	wrdreg s6  }
0xac: {  	[dreg:$0x4] =	wrdreg $0xC0  }
0xad: {  	_ =	task [dreg:s9], $0x5FFFF  }
0xae: {  	[dreg:$0x1] =	wrdreg $0xFFFFFFFF  }
0xaf: {  	[dreg:$0x0] =	wrdreg $0x60  }
0xb0: {  	[dreg:$0x2] =	wrdreg s2  }
0xb1: {  	[dreg:$0x3] =	wrdreg s19  }
0xb2: {  	[dreg:$0x4] =	wrdreg s4  }
0xb3: {  	[dreg:$0x5] =	wrdreg $0x9  }
0xb4: {  	_ =	task.clear_ibuf [dreg:s9], $0x6FFFF;
	_ =	strace $0x90000046  }
0xb5: {  	s29 =	simm.s32 $0x9;
	_ =	strace $0x80000048  }
0xb6: {  	_ =	swait.ge [sflag:s29], $0x1  }
0xb7: {  	[sflag:s29] =	ssyncadd.s32 $0xFFFFFFFF  }
0xb8: {  	_ =	strace $0x90000048  }
0xb9: {  	_ =	sfence  }
0xba: {  	s30 =	sld [smem:$0x0];
	_ =	sdelay $0x2  }
0xbb: {  	s31 =	sshll.u32 s1, $0xD;
	s1 =	sshrl.u32 s1, $0x2  }
0xbc: {  	s3 =	sand.u32 $0x4000, s31;
	s1 =	sadd.s32 s1, s30  }
0xbd: {  	s0 =	sor.u32 s3, s0;
	s1 =	sshll.u32 s1, $0x11  }
0xbe: {  	s0 =	sor.u32 s1, s0  }
0xbf: {  	s0 =	sadd.s32 $0x8F2B, s0  }
0xc0: {  	[sflag:s0] =	ssyncadd.remote.s32 $0x1  }
0xc1: {  	_ =	sfence.sel $0xFFFF  }
0xc2: {  	[dreg:$0x0] =	wrdreg $0xFFFFFFFF;
	(pc) =	sbr.abs _section_cstart, $3  }
0xc3: {  	[dreg:$0x1] =	wrdreg $0xFFFFFFFF  }
0xc4: {  	_ =	task.clear_ibuf [dreg:s9], $0x2FFFF;
	_ =	strace $0x9FFFFFFF  }
0xc5: {  	(tm) =	ssettm $0x7FFFFFFF  }
tec
execute0_lowered:
.L_overlay_start_1:
0x0: {  	(tag) =	ssettag $0x1  }
0x1: {  	s0 =	stileid.u32  }
0x2: {  	s1 =	rddreg [dreg:$0x0];
	s2 =	srdreg.scid  }
0x3: {  	s3 =	rddreg [dreg:$0x1];
	s7 =	simm.s32 $0x0;
	s13 =	simm.s32 $0x3  }
0x4: {  	s14 =	simm.s32 $0x6400;
	s15 =	simm.s32 $0x12C00;
	s16 =	simm.s32 $0x1  }
0x5: {  	s17 =	simm.s32 $0x2;
	s18 =	simm.s32 $0x0;
	s4 =	sshll.u32 s0, $0x1  }
0x6: {  	s8 =	sand.u32 $0x1, s2;
	s2 =	rddreg [dreg:$0x3];
	s5 =	sshrl.u32 s0, $0x2  }
0x7: {  	s31 =	sand.u32 $0x6, s4;
	s9 =	smul.u32 $0xC800, s5;
	s10 =	sor.u32 $0x4, s5  }
0x8: {  	[smem:$0x7FF] =	sst s7;
	s6 =	sor.u32 s8, s31;
	s11 =	smul.u32 $0xC800, s10  }
0x9: {  	s4 =	rddreg [dreg:$0x2];
	s8 =	ssub.s32 $0x2, s8;
	s6 =	smul.u32 $0x9C4000, s6  }
0xa: {  	_ =	strace $0x80000047;
	s10 =	sshll.u32 s10, $0x7;
	s12 =	sshrl.u32 s8, $0x1  }
0xb: {  	s12 =	ssub.s32 s8, s12;
	s9 =	sadd.s32 s9, s6;
	s11 =	sadd.s32 s11, s6  }
0xc: {  	s8 =	sshll.u32 s5, $0x7;
	s9 =	sshrl.u32 s9, $0x3;
	s11 =	sshrl.u32 s11, $0x3  }
0xd: {  	s12 =	smax.u32 s12, $0x1;
	s9 =	sadd.s32 s4, s9;
	s11 =	sadd.s32 s4, s11  }
.LBB2_1:
0xe: {  	[tilespmem:s7], [sflag:$0x3] =	stream.linear.gather [hbm4b:s1+s7], $0x6400, $0x38;
	[tilespmem:$0x1F400] =	vst v63  }
0xf: {  	_ =	swait.ge [sflag:s13], $0x6400  }
0x10: {  	s19 =	simm.s32 $0x80;
	s22 =	sadd.s32 $0x0, s3;
	[sflag:s13] =	ssyncset.done $0x0  }
0x11: {  	s20 =	simm.s32 $0x6C00;
	s21 =	simm.s32 $0x6400;
	[sflag:s13] =	ssyncadd.s32 $0xFFFF9C00  }
.LBB2_2:
0x12: {  	[tilespmem:s21], [sflag:$0x3] =	stream.linear.gather [hbm4b:s22+s7], $0x400, $0x38;
	[tilespmem:$0x1F400] =	vst v63  }
0x13: {  	s22 =	smov.u32 s19;
	s21 =	smov.u32 s20;
	p0 =	sne.s32 s19, $0xC00  }
.Ltmp0:
0x14: {  	s19 =	sadd.s32 $0x80, s19;
	(pc) =	sbr.rel @p0 .LBB2_2-.Ltmp0, $2  }
0x15: {  	_ =	sdelay $0x2  }
0x16: {  	s20 =	sadd.s32 $0x800, s20;
	s22 =	sadd.s32 s22, s3  }
0x17: {  	[tilespmem:s21], [sflag:$0x3] =	stream.linear.gather [hbm4b:s22+s7], $0x400, $0x38;
	[tilespmem:$0x1F400] =	vst v63  }
0x18: {  	_ =	swait.ge [sflag:s13], $0x6400  }
0x19: {  	s19 =	simm.s32 $0x12C00;
	s20 =	simm.s32 $0x80;
	[sflag:s13] =	ssyncset.done $0x0  }
0x1a: {  	s22 =	sadd.s32 $0x0, s3;
	s21 =	simm.s32 $0x13400;
	[sflag:s13] =	ssyncadd.s32 $0xFFFF9C00  }
.LBB2_4:
0x1b: {  	[tilespmem:s19], [sflag:$0x3] =	stream.linear.gather [hbm4b:s22+s7], $0x400, $0x38;
	[tilespmem:$0x1F400] =	vst v63  }
0x1c: {  	s22 =	smov.u32 s20;
	s19 =	smov.u32 s21;
	p0 =	sne.s32 s20, $0xC00  }
.Ltmp1:
0x1d: {  	s20 =	sadd.s32 $0x80, s20;
	(pc) =	sbr.rel @p0 .LBB2_4-.Ltmp1, $2  }
0x1e: {  	_ =	sdelay $0x2  }
0x1f: {  	s21 =	sadd.s32 $0x800, s21;
	s22 =	sadd.s32 s22, s3  }
0x20: {  	[tilespmem:s19], [sflag:$0x3] =	stream.linear.gather [hbm4b:s22+s7], $0x400, $0x38;
	[tilespmem:$0x1F400] =	vst v63  }
0x21: {  	_ =	swait.ge [sflag:s13], $0x6400  }
0x22: {  	[sflag:s13] =	ssyncset.done $0x0  }
0x23: {  	[sflag:s13] =	ssyncadd.s32 $0xFFFF9C00  }
0x24: {  	v0 =	vld [tilespmem:s8+$0x0]  }
0x25: {  	v1 =	vld [tilespmem:s8+$0x10]  }
0x26: {  	v7 =	vld [tilespmem:s8+$0x70]  }
0x27: {  	v2 =	vld [tilespmem:s8+$0x20]  }
0x28: {  	s31 =	simm.s32 $0x0;
	v3 =	vld [tilespmem:s8+$0x30]  }
0x29: {  	s20 =	sand.u32 $0xF800, s31;
	s19 =	sand.u32 $0x380, s31;
	v4 =	vld [tilespmem:s8+$0x40]  }
0x2a: {  	s19 =	sor.u32 s19, s20;
	v5 =	vld [tilespmem:s8+$0x50]  }
0x2b: {  	v6 =	vld [tilespmem:s8+$0x60];
	[tilespmem:s19+$0x6870] =	vst v7  }
0x2c: {  	[tilespmem:s19+$0x6800] =	vst v0  }
0x2d: {  	[tilespmem:s19+$0x6810] =	vst v1  }
0x2e: {  	[tilespmem:s19+$0x6820] =	vst v2  }
0x2f: {  	[tilespmem:s19+$0x6830] =	vst v3  }
0x30: {  	s21 =	simm.s32 $0x100;
	s20 =	simm.s32 $0x80;
	[tilespmem:s19+$0x6840] =	vst v4  }
0x31: {  	s22 =	sand.u32 $0xF800, s21;
	s21 =	simm.s32 $0x200;
	s23 =	sand.u32 $0x380, s20;
	[tilespmem:s19+$0x6850] =	vst v5  }
.LBB2_6:
0x32: {  	p0 =	sne.s32 s21, $0xC700;
	[tilespmem:s19+$0x6860] =	vst v6;
	s19 =	sor.u32 s23, s22  }
0x33: {  	[tilespmem:s19+$0x6870] =	vst v7  }
0x34: {  	[tilespmem:s19+$0x6800] =	vst v0  }
.Ltmp2:
0x35: {  	[tilespmem:s19+$0x6810] =	vst v1;
	(pc) =	sbr.rel @p0 .LBB2_6-.Ltmp2, $4  }
0x36: {  	[tilespmem:s19+$0x6820] =	vst v2  }
0x37: {  	[tilespmem:s19+$0x6830] =	vst v3  }
0x38: {  	s20 =	sadd.s32 $0x80, s20;
	[tilespmem:s19+$0x6840] =	vst v4  }
0x39: {  	s22 =	sand.u32 $0xF800, s21;
	s21 =	sadd.s32 $0x100, s21;
	s23 =	sand.u32 $0x380, s20;
	[tilespmem:s19+$0x6850] =	vst v5  }
0x3a: {  	s20 =	sor.u32 s23, s22;
	[tilespmem:s19+$0x6860] =	vst v6  }
0x3b: {  	[tilespmem:s20+$0x6870] =	vst v7  }
0x3c: {  	[tilespmem:s20+$0x6800] =	vst v0  }
0x3d: {  	[tilespmem:s20+$0x6810] =	vst v1  }
0x3e: {  	[tilespmem:s20+$0x6820] =	vst v2  }
0x3f: {  	[tilespmem:s20+$0x6830] =	vst v3  }
0x40: {  	[tilespmem:s20+$0x6840] =	vst v4  }
0x41: {  	[tilespmem:s20+$0x6850] =	vst v5  }
0x42: {  	s30 =	simm.s32 $0x0;
	[tilespmem:s20+$0x6860] =	vst v6  }
0x43: {  	[hbm4b:s9+s30] =	stream.linear.scatter [tilespmem:s14], [sflag:$0x1], $0xC800, $0x38;
	[tilespmem:$0x1F400] =	vst v63  }
0x44: {  	v0 =	vld [tilespmem:s10+$0x0]  }
0x45: {  	v1 =	vld [tilespmem:s10+$0x10]  }
0x46: {  	v7 =	vld [tilespmem:s10+$0x70]  }
0x47: {  	v2 =	vld [tilespmem:s10+$0x20]  }
0x48: {  	s31 =	sand.u32 $0xF800, s30;
	s19 =	sand.u32 $0x380, s30;
	v3 =	vld [tilespmem:s10+$0x30]  }
0x49: {  	s19 =	sor.u32 s19, s31;
	v4 =	vld [tilespmem:s10+$0x40]  }
0x4a: {  	v5 =	vld [tilespmem:s10+$0x50];
	s19 =	sadd.s32 $0x12C00, s19  }
0x4b: {  	v6 =	vld [tilespmem:s10+$0x60];
	[tilespmem:s19+$0x470] =	vst v7  }
0x4c: {  	[tilespmem:s19+$0x400] =	vst v0  }
0x4d: {  	[tilespmem:s19+$0x410] =	vst v1  }
0x4e: {  	[tilespmem:s19+$0x420] =	vst v2  }
0x4f: {  	s21 =	simm.s32 $0x100;
	s20 =	simm.s32 $0x80;
	[tilespmem:s19+$0x430] =	vst v3  }
0x50: {  	s22 =	sand.u32 $0xF800, s21;
	s21 =	simm.s32 $0x200;
	s23 =	sand.u32 $0x380, s20;
	[tilespmem:s19+$0x440] =	vst v4  }
.LBB2_8:
0x51: {  	p0 =	sne.s32 s21, $0xC700;
	s22 =	sor.u32 s23, s22;
	[tilespmem:s19+$0x450] =	vst v5  }
0x52: {  	[tilespmem:s19+$0x460] =	vst v6;
	s19 =	sadd.s32 $0x12C00, s22  }
0x53: {  	[tilespmem:s19+$0x470] =	vst v7  }
.Ltmp3:
0x54: {  	[tilespmem:s19+$0x400] =	vst v0;
	(pc) =	sbr.rel @p0 .LBB2_8-.Ltmp3, $4  }
0x55: {  	[tilespmem:s19+$0x410] =	vst v1  }
0x56: {  	[tilespmem:s19+$0x420] =	vst v2  }
0x57: {  	s20 =	sadd.s32 $0x80, s20;
	[tilespmem:s19+$0x430] =	vst v3  }
0x58: {  	s22 =	sand.u32 $0xF800, s21;
	s23 =	sand.u32 $0x380, s20;
	s21 =	sadd.s32 $0x100, s21;
	[tilespmem:s19+$0x440] =	vst v4  }
0x59: {  	s20 =	sor.u32 s23, s22;
	[tilespmem:s19+$0x450] =	vst v5  }
0x5a: {  	[tilespmem:s19+$0x460] =	vst v6;
	s20 =	sadd.s32 $0x12C00, s20  }
0x5b: {  	[tilespmem:s20+$0x470] =	vst v7  }
0x5c: {  	[tilespmem:s20+$0x400] =	vst v0  }
0x5d: {  	[tilespmem:s20+$0x410] =	vst v1  }
0x5e: {  	[tilespmem:s20+$0x420] =	vst v2  }
0x5f: {  	[tilespmem:s20+$0x430] =	vst v3  }
0x60: {  	[tilespmem:s20+$0x440] =	vst v4  }
0x61: {  	[tilespmem:s20+$0x450] =	vst v5  }
0x62: {  	s19 =	simm.s32 $0x1;
	[tilespmem:s20+$0x460] =	vst v6  }
0x63: {  	[hbm4b:s11+s7] =	stream.linear.scatter [tilespmem:s15], [sflag:$0x2], $0xC800, $0x38;
	[tilespmem:$0x1F400] =	vst v63  }
.LBB2_10:
0x64: {  	s20 =	sshll.u32 s19, $0x3  }
0x65: {  	_ =	swait.ge [sflag:s16], $0xC800;
	s20 =	sor.u32 s5, s20  }
0x66: {  	[sflag:s16] =	ssyncset.done $0x0;
	s21 =	sshll.u32 s20, $0x7  }
0x67: {  	[sflag:s16] =	ssyncadd.s32 $0xFFFF3800;
	s21 =	sand.u32 $0x3FFFFD80, s21  }
0x68: {  	v0 =	vld [tilespmem:s21+$0x0]  }
0x69: {  	v1 =	vld [tilespmem:s21+$0x10]  }
0x6a: {  	v2 =	vld [tilespmem:s21+$0x20]  }
0x6b: {  	v7 =	vld [tilespmem:s21+$0x70]  }
0x6c: {  	v3 =	vld [tilespmem:s21+$0x30]  }
0x6d: {  	s22 =	simm.s32 $0x0;
	v4 =	vld [tilespmem:s21+$0x40]  }
0x6e: {  	s23 =	sand.u32 $0xF800, s22;
	s22 =	sand.u32 $0x380, s22;
	v5 =	vld [tilespmem:s21+$0x50]  }
0x6f: {  	v6 =	vld [tilespmem:s21+$0x60];
	s21 =	sor.u32 s22, s23  }
0x70: {  	[tilespmem:s21+$0x6870] =	vst v7  }
0x71: {  	[tilespmem:s21+$0x6800] =	vst v0  }
0x72: {  	[tilespmem:s21+$0x6810] =	vst v1  }
0x73: {  	[tilespmem:s21+$0x6820] =	vst v2  }
0x74: {  	[tilespmem:s21+$0x6830] =	vst v3  }
0x75: {  	s31 =	simm.s32 $0x100;
	s22 =	simm.s32 $0x80;
	[tilespmem:s21+$0x6840] =	vst v4  }
0x76: {  	s24 =	sand.u32 $0xF800, s31;
	s23 =	simm.s32 $0x200;
	s25 =	sand.u32 $0x380, s22;
	[tilespmem:s21+$0x6850] =	vst v5  }
.LBB2_11:
0x77: {  	p0 =	sne.s32 s23, $0xC700;
	[tilespmem:s21+$0x6860] =	vst v6;
	s21 =	sor.u32 s25, s24  }
0x78: {  	[tilespmem:s21+$0x6870] =	vst v7  }
0x79: {  	[tilespmem:s21+$0x6800] =	vst v0  }
.Ltmp4:
0x7a: {  	[tilespmem:s21+$0x6810] =	vst v1;
	(pc) =	sbr.rel @p0 .LBB2_11-.Ltmp4, $4  }
0x7b: {  	[tilespmem:s21+$0x6820] =	vst v2  }
0x7c: {  	[tilespmem:s21+$0x6830] =	vst v3  }
0x7d: {  	s22 =	sadd.s32 $0x80, s22;
	[tilespmem:s21+$0x6840] =	vst v4  }
0x7e: {  	s24 =	sand.u32 $0xF800, s23;
	s23 =	sadd.s32 $0x100, s23;
	s25 =	sand.u32 $0x380, s22;
	[tilespmem:s21+$0x6850] =	vst v5  }
0x7f: {  	s22 =	sor.u32 s25, s24;
	[tilespmem:s21+$0x6860] =	vst v6  }
0x80: {  	[tilespmem:s22+$0x6870] =	vst v7  }
0x81: {  	[tilespmem:s22+$0x6800] =	vst v0  }
0x82: {  	[tilespmem:s22+$0x6810] =	vst v1  }
0x83: {  	s28 =	smul.u32 $0xC800, s20;
	[tilespmem:s22+$0x6820] =	vst v2  }
0x84: {  	[tilespmem:s22+$0x6830] =	vst v3  }
0x85: {  	[tilespmem:s22+$0x6840] =	vst v4;
	s21 =	sadd.s32 s6, s28  }
0x86: {  	[tilespmem:s22+$0x6850] =	vst v5;
	s21 =	sshrl.u32 s21, $0x3  }
0x87: {  	s29 =	simm.s32 $0x0;
	[tilespmem:s22+$0x6860] =	vst v6;
	s21 =	sadd.s32 s4, s21  }
0x88: {  	[hbm4b:s21+s29] =	stream.linear.scatter [tilespmem:s14], [sflag:$0x1], $0xC800, $0x38;
	[tilespmem:$0x1F400] =	vst v63  }
0x89: {  	s20 =	sor.u32 $0x4, s20;
	_ =	swait.ge [sflag:s17], $0xC800  }
0x8a: {  	s30 =	sshll.u32 s20, $0x7;
	[sflag:s17] =	ssyncset.done $0x0  }
0x8b: {  	s21 =	sand.u32 $0x3FFFFF80, s30;
	[sflag:s17] =	ssyncadd.s32 $0xFFFF3800  }
0x8c: {  	v0 =	vld [tilespmem:s21+$0x0]  }
0x8d: {  	v1 =	vld [tilespmem:s21+$0x10]  }
0x8e: {  	v2 =	vld [tilespmem:s21+$0x20]  }
0x8f: {  	v7 =	vld [tilespmem:s21+$0x70]  }
0x90: {  	v3 =	vld [tilespmem:s21+$0x30]  }
0x91: {  	s23 =	sand.u32 $0xF800, s29;
	s22 =	sand.u32 $0x380, s29;
	v4 =	vld [tilespmem:s21+$0x40]  }
0x92: {  	s22 =	sor.u32 s22, s23;
	v5 =	vld [tilespmem:s21+$0x50]  }
0x93: {  	v6 =	vld [tilespmem:s21+$0x60];
	s21 =	sadd.s32 $0x12C00, s22  }
0x94: {  	[tilespmem:s21+$0x470] =	vst v7  }
0x95: {  	[tilespmem:s21+$0x400] =	vst v0  }
0x96: {  	[tilespmem:s21+$0x410] =	vst v1  }
0x97: {  	[tilespmem:s21+$0x420] =	vst v2  }
0x98: {  	s31 =	simm.s32 $0x100;
	s22 =	simm.s32 $0x80;
	[tilespmem:s21+$0x430] =	vst v3  }
0x99: {  	s24 =	sand.u32 $0xF800, s31;
	s23 =	simm.s32 $0x200;
	s25 =	sand.u32 $0x380, s22;
	[tilespmem:s21+$0x440] =	vst v4  }
.LBB2_13:
0x9a: {  	p0 =	sne.s32 s23, $0xC700;
	s24 =	sor.u32 s25, s24;
	[tilespmem:s21+$0x450] =	vst v5  }
0x9b: {  	[tilespmem:s21+$0x460] =	vst v6;
	s21 =	sadd.s32 $0x12C00, s24  }
0x9c: {  	[tilespmem:s21+$0x470] =	vst v7  }
.Ltmp5:
0x9d: {  	[tilespmem:s21+$0x400] =	vst v0;
	(pc) =	sbr.rel @p0 .LBB2_13-.Ltmp5, $4  }
0x9e: {  	[tilespmem:s21+$0x410] =	vst v1  }
0x9f: {  	[tilespmem:s21+$0x420] =	vst v2  }
0xa0: {  	s22 =	sadd.s32 $0x80, s22;
	[tilespmem:s21+$0x430] =	vst v3  }
0xa1: {  	s24 =	sand.u32 $0xF800, s23;
	s25 =	sand.u32 $0x380, s22;
	s23 =	sadd.s32 $0x100, s23;
	[tilespmem:s21+$0x440] =	vst v4  }
0xa2: {  	s22 =	sor.u32 s25, s24;
	[tilespmem:s21+$0x450] =	vst v5  }
0xa3: {  	[tilespmem:s21+$0x460] =	vst v6;
	s22 =	sadd.s32 $0x12C00, s22  }
0xa4: {  	[tilespmem:s22+$0x470] =	vst v7  }
0xa5: {  	[tilespmem:s22+$0x400] =	vst v0  }
0xa6: {  	s19 =	sadd.s32 $0x1, s19;
	[tilespmem:s22+$0x410] =	vst v1  }
0xa7: {  	s20 =	smul.u32 $0xC800, s20;
	p0 =	sne.s32 s19, $0x19;
	[tilespmem:s22+$0x420] =	vst v2  }
.Ltmp6:
0xa8: {  	[tilespmem:s22+$0x430] =	vst v3;
	(pc) =	sbr.rel @p0 .LBB2_10-.Ltmp6, $4  }
0xa9: {  	[tilespmem:s22+$0x440] =	vst v4;
	s20 =	sadd.s32 s6, s20  }
0xaa: {  	[tilespmem:s22+$0x450] =	vst v5;
	s20 =	sshrl.u32 s20, $0x3  }
0xab: {  	[tilespmem:s22+$0x460] =	vst v6;
	s20 =	sadd.s32 s4, s20  }
0xac: {  	[hbm4b:s20+s7] =	stream.linear.scatter [tilespmem:s15], [sflag:$0x2], $0xC800, $0x38;
	[tilespmem:$0x1F400] =	vst v63  }
0xad: {  	s18 =	sadd.s32 $0x1, s18  }
0xae: {  	_ =	swait.ge [sflag:s16], $0xC800;
	p0 =	sne.s32 s18, s12  }
.Ltmp7:
0xaf: {  	[sflag:s16] =	ssyncset.done $0x0;
	(pc) =	sbr.rel @p0 .LBB2_1-.Ltmp7, $4  }
0xb0: {  	[sflag:s16] =	ssyncadd.s32 $0xFFFF3800  }
0xb1: {  	_ =	swait.ge [sflag:s17], $0xC800  }
0xb2: {  	[sflag:s17] =	ssyncset.done $0x0  }
0xb3: {  	[sflag:s17] =	ssyncadd.s32 $0xFFFF3800  }
0xb4: {  	_ =	sfence.sel $0x180000  }
0xb5: {  	[bflag:$0x0] =	sbarrier.arrive $0xFFFF  }
0xb6: {  	p0 =	sne.s32 s0, $0x0;
	_ =	strace $0x90000047  }
0xb7: {  	s0 =	sadd.s32 @!p0 $0x100000, s2;
	[bflag:$0x2] =	sbarrier.arrive $0xFFFF  }
0xb8: {  	[sflag:s0] =	ssyncadd.tile.s32 @!p0 $0x1;
	_ =	shalt  }
.Lfunc_end2:
_tile_overlayer_lowered:
.L_overlay_start_2:
0xb9: {  	(tag) =	ssettag $0x2  }
0xba: {  	s0 =	rddreg [dreg:$0x0];
	s2 =	stileid.u32  }
0xbb: {  	s1 =	rddreg [dreg:$0x1];
	p0 =	sne.s32 s2, $0x0  }
0xbc: {  	s3 =	rddreg [dreg:$0x2];
	[bflag:$0x3] =	sbarrier.arrive $0xFFFF;
	s2 =	simm.s32 @!p0 $0x1C03  }
0xbd: {  	[timem:s3], [sflag:s2] =	dma.local @!p0 [hbm:s0], s1  }
0xbe: {  	s0 =	simm.s32 @!p0 $0x3  }
0xbf: {  	_ =	swait.ge @!p0 [sflag:s0], s1  }
0xc0: {  	s1 =	ssub.s32 @!p0 $0x0, s1;
	[sflag:s0] =	ssyncset.done @!p0 $0x0  }
0xc1: {  	[sflag:s0] =	ssyncadd.s32 @!p0 s1  }
0xc2: {  	[bflag:$0x3] =	sbarrier.arrive $0xFFFF  }
0xc3: {  	_ =	shalt  }

</sc_bundles>
